<compile_context>
chip_gen: v7x
topology: tpu7x:2x2x1
jax: 0.10.2.dev20260603
libtpu: 0.0.44.dev20260713+nightly
codegen_flags: <defaults>
</compile_context>

<pallas_src>
import jax
import jax.numpy as jnp
from jax import lax
from jax.experimental import pallas as pl
from jax.experimental.pallas import tpu as pltpu
from jax.experimental.pallas import tpu_sc as plsc

N_NODES = 10000
D = 128
NC = 2
NS = 16
BK = 128
FAST_CORE = 0
NBF = 118
NBS = 40
NBT = NBF + NBS
EHALF = NBF // 2
EPAD = NS * NBT + (NBF - NBS)
ROWS_PER_TILE = 632
NROWS = NS * ROWS_PER_TILE


def _sc_agg_body(h_hbm, e_hbm, out_hbm, agg_sh,
                 e_v, gbuf0, gbuf1, sem0, sem1):
    gbufs = (gbuf0, gbuf1)
    gsems = (sem0, sem1)
    c = lax.axis_index("c")
    s = lax.axis_index("s")
    is_fast = c == FAST_CORE
    nb = lax.select(is_fast, jnp.int32(NBF), jnp.int32(NBS))
    off = lax.select(is_fast, jnp.int32(0), jnp.int32(NBF))
    eb0 = s * NBT + off

    zv = jnp.zeros((16,), jnp.float32)

    @pl.loop(0, BK)
    def _zrow(r):
        for k in range(D // 16):
            gbuf0[r, pl.ds(16 * k, 16)] = zv

    row0 = s * ROWS_PER_TILE
    nfull = ROWS_PER_TILE // BK
    for q in range(nfull):
        pltpu.sync_copy(gbuf0, agg_sh.at[pl.ds(row0 + q * BK, BK)])
    rrem = ROWS_PER_TILE - nfull * BK
    if rrem:
        pltpu.sync_copy(gbuf0.at[pl.ds(0, rrem)],
                        agg_sh.at[pl.ds(row0 + nfull * BK, rrem)])

    plsc.subcore_barrier()

    @pl.loop(0, 2)
    def _phase(p):
        pltpu.sync_copy(e_hbm.at[pl.ds(eb0 + p * EHALF, EHALF)], e_v)
        pn = lax.min(nb - p * EHALF, jnp.int32(EHALF))

        @pl.when(pn > 0)
        def _prime():
            pltpu.async_copy(h_hbm.at[e_v.at[0, 0]], gbufs[0], gsems[0])

        @pl.loop(0, (EHALF + 1) // 2)
        def _pair(t):
            for u in range(2):
                i = 2 * t + u

                @pl.when(i < pn)
                def _slot():
                    pltpu.make_async_copy(
                        h_hbm.at[e_v.at[0, 0]], gbufs[u], gsems[u]).wait()

                    @pl.when(i + 1 < pn)
                    def _prefetch():
                        pltpu.async_copy(h_hbm.at[e_v.at[i + 1, 0]],
                                         gbufs[1 - u], gsems[1 - u])

                    pltpu.sync_copy(gbufs[u], agg_sh.at[e_v.at[i, 1]],
                                    add=True)

    plsc.subcore_barrier()

    pltpu.sync_copy(agg_sh.at[pl.ds(row0, ROWS_PER_TILE)],
                    out_hbm.at[c, pl.ds(row0, ROWS_PER_TILE)])


@jax.jit
def _sc_agg(h, e_r):
    mesh = plsc.VectorSubcoreMesh(core_axis_name="c", subcore_axis_name="s")
    return pl.kernel(
        _sc_agg_body,
        out_type=jax.ShapeDtypeStruct((NC, NROWS, D), jnp.float32),
        mesh=mesh,
        scratch_types=[
            pltpu.VMEM_SHARED((NROWS, D), jnp.float32),
            pltpu.VMEM((EHALF, 2, BK), jnp.int32),
            pltpu.VMEM((BK, D), jnp.float32),
            pltpu.VMEM((BK, D), jnp.float32),
            pltpu.SemaphoreType.DMA,
            pltpu.SemaphoreType.DMA,
        ],
    )(h, e_r)


def _tc_update_body(h_ref, p0_ref, p1_ref, w_ref, b_ref, o_ref):
    x = h_ref[...] + p0_ref[0] + p1_ref[0]
    o_ref[...] = (
        jnp.dot(x, w_ref[...], preferred_element_type=jnp.float32,
                precision=lax.Precision.HIGHEST)
        + b_ref[...]
    )


@jax.jit
def _tc_update(h, parts, W, b2d):
    rb = 2000
    grid = (N_NODES // rb,)
    return pl.pallas_call(
        _tc_update_body,
        grid=grid,
        in_specs=[
            pl.BlockSpec((rb, D), lambda i: (i, 0)),
            pl.BlockSpec((1, rb, D), lambda i: (0, i, 0)),
            pl.BlockSpec((1, rb, D), lambda i: (1, i, 0)),
            pl.BlockSpec((D, D), lambda i: (0, 0)),
            pl.BlockSpec((1, D), lambda i: (0, 0)),
        ],
        out_specs=pl.BlockSpec((rb, D), lambda i: (i, 0)),
        out_shape=jax.ShapeDtypeStruct((N_NODES, D), jnp.float32),
    )(h, parts, parts, W, b2d)


def kernel(h, edge_index, W0, b0, W1, b1, W2, b2, W3, b3):
    src = edge_index[0].astype(jnp.int32)
    dst = edge_index[1].astype(jnp.int32)
    n_edges = src.shape[0]
    pad = EPAD * BK - n_edges
    src_b = jnp.concatenate(
        [src, jnp.zeros((pad,), jnp.int32)]).reshape(EPAD, BK)
    dst_b = jnp.concatenate(
        [dst, jnp.full((pad,), N_NODES, jnp.int32)]).reshape(EPAD, BK)
    e_r = jnp.stack([src_b, dst_b], axis=1)

    params = [(W0, b0), (W1, b1), (W2, b2), (W3, b3)]
    for W, b in params:
        parts = _sc_agg(h, e_r)
        h = _tc_update(h, parts, W, b.reshape(1, D))
    return h

# --- scband reference (transcript-rebuilt; emitter-appended) ---
"""Pipeline reference for scband-gin-74680891343606 (READ-ONLY COPY).

The authoritative reference and input builder live on the scoring server;
editing this copy changes nothing except your own understanding.
"""

import jax, jax.numpy as jnp
import numpy as np

N_NODES = 10000
N_EDGES = 320000
D_IN = 128
D_HID = 128
NUM_LAYERS = 5


def setup_inputs(seed: int = 0) -> dict:
    key = jax.random.key(seed)
    kh, ke = jax.random.fold_in(key, 0), jax.random.fold_in(key, 1)
    inp = {}
    inp['h'] = jax.random.normal(kh, (N_NODES, D_IN), dtype=jnp.float32)
    inp['edge_index'] = jax.random.randint(ke, (2, N_EDGES), 0, N_NODES, dtype=jnp.int64)
    # GIN forward loops num_layers-1 = 4 times, using layers 0..3.
    # layer 0: Linear(input_dim, hidden_dim); layers 1..3: Linear(hidden_dim, hidden_dim).
    dims = [(D_IN, D_HID), (D_HID, D_HID), (D_HID, D_HID), (D_HID, D_HID)]
    for i, (din, dout) in enumerate(dims):
        kw = jax.random.fold_in(key, 10 + 2 * i)
        kb = jax.random.fold_in(key, 11 + 2 * i)
        scale = 1.0 / np.sqrt(din)
        inp[f'W{i}'] = jax.random.uniform(kw, (din, dout), dtype=jnp.float32, minval=-scale, maxval=scale)
        inp[f'b{i}'] = jax.random.uniform(kb, (dout,), dtype=jnp.float32, minval=-scale, maxval=scale)
    return inp


def reference(h, edge_index, W0, b0, W1, b1, W2, b2, W3, b3):
    # DGL GINConv with 'sum' aggregator, eps=0 (not learned):
    #   h_v <- mlp( (1 + eps) * h_v + sum_{u in N(v)} h_u )
    # GIN.forward applies layers 0 .. num_layers-2 (4 layers).
    src = edge_index[0]
    dst = edge_index[1]
    params = [(W0, b0), (W1, b1), (W2, b2), (W3, b3)]
    for W, b in params:
        msgs = jnp.take(h, src, axis=0)               # gather source node features
        agg = jnp.zeros((h.shape[0], h.shape[1]), dtype=h.dtype).at[dst].add(msgs)  # scatter-add to dst
        h = (1.0 + 0.0) * h + agg                      # eps = 0, learn_eps = False
        h = h @ W + b                                  # ApplyNodeFunc: MLP (Linear)
    return h

if __name__ == "__main__":
    import jax
    _d = setup_inputs()
    print(jax.jit(kernel)(*tuple(_d.values())))

</pallas_src>

<mosaic_0001>
#map = affine_map<(d0, d1) -> (0, 0)>
#map1 = affine_map<(d0, d1) -> (0, 0, 0)>
module attributes {stable_mosaic.version = 14 : i64} {
  func.func @_sc_agg_body(%arg0: i32, %arg1: i32, %arg2: memref<10000x128xf32, #tpu.memory_space<hbm>>, %arg3: memref<2606x2x128xi32, #tpu.memory_space<hbm>>, %arg4: memref<2x10112x128xf32, #tpu.memory_space<hbm>>, %arg5: memref<10112x128xf32, #tpu.memory_space<vmem_shared>>, %arg6: memref<59x2x128xi32, #tpu.memory_space<vmem>>, %arg7: memref<128x128xf32, #tpu.memory_space<vmem>>, %arg8: memref<128x128xf32, #tpu.memory_space<vmem>>, %arg9: memref<!tpu.dma_semaphore, #tpu.memory_space<semaphore_mem>>, %arg10: memref<!tpu.dma_semaphore, #tpu.memory_space<semaphore_mem>>) attributes {dimension_semantics = [#tpu.dimension_semantics<core_parallel>, #tpu.dimension_semantics<subcore_parallel>], iteration_bounds = array<i64: 2, 16>, scalar_prefetch = 0 : i64, scratch_operands = 6 : i64, tpu.core_type = #tpu.core_type<sc_vector_subcore>, window_params = [{transform_indices = #map}, {transform_indices = #map1}, {transform_indices = #map1}]} {
    %eq3A = arith.constant 0 : i32
    %eq3A_0 = arith.cmpi eq, %arg0, %eq3A : i32
    %select_n3A = arith.constant 40 : i32
    %select_n3A_1 = arith.constant 118 : i32
    %select_n3A_2 = arith.select %eq3A_0, %select_n3A_1, %select_n3A : i32
    %select_n3A_3 = arith.constant 118 : i32
    %select_n3A_4 = arith.constant 0 : i32
    %select_n3A_5 = arith.select %eq3A_0, %select_n3A_4, %select_n3A_3 : i32
    %mul3A = arith.constant 158 : i32
    %mul3A_6 = arith.muli %arg1, %mul3A : i32
    %add3A = arith.addi %mul3A_6, %select_n3A_5 : i32
    %broadcast_in_dim3A = arith.constant 0.000000e+00 : f32
    %broadcast_in_dim3A_7 = vector.broadcast %broadcast_in_dim3A : f32 to vector<16xf32>
    %scan3A = arith.constant 0 : i32
    %scan3A_8 = arith.constant 128 : i32
    %scan3A_9 = arith.addi %scan3A, %scan3A_8 : i32
    %scan3A_10 = arith.constant 1 : i32
    scf.for %scan3A_30 = %scan3A to %scan3A_9 step %scan3A_10  : i32 {
      %mul3A_31 = arith.constant 1 : i32
      %mul3A_32 = arith.muli %scan3A_30, %mul3A_31 : i32
      %add3A_33 = arith.constant 0 : i32
      %add3A_34 = arith.addi %add3A_33, %mul3A_32 : i32
      %swap3A = arith.index_cast %add3A_34 : i32 to index
      %swap3A_35 = arith.constant 0 : index
      %swap3A_36 = tpu.vector_load %arg7[%swap3A, %swap3A_35] {strides = array<i32>} : memref<128x128xf32, #tpu.memory_space<vmem>>, vector<1x16xf32>,
      %swap3A_37 = vector.shape_cast %swap3A_36 : vector<1x16xf32> to vector<16xf32>
      %swap3A_38 = vector.shape_cast %broadcast_in_dim3A_7 : vector<16xf32> to vector<1x16xf32>
      tpu.vector_store %arg7[%swap3A, %swap3A_35], %swap3A_38 {strides = array<i32>} : memref<128x128xf32, #tpu.memory_space<vmem>>, vector<1x16xf32>,
      %swap3A_39 = arith.index_cast %add3A_34 : i32 to index
      %swap3A_40 = arith.constant 16 : index
      %swap3A_41 = tpu.vector_load %arg7[%swap3A_39, %swap3A_40] {strides = array<i32>} : memref<128x128xf32, #tpu.memory_space<vmem>>, vector<1x16xf32>,
      %swap3A_42 = vector.shape_cast %swap3A_41 : vector<1x16xf32> to vector<16xf32>
      %swap3A_43 = vector.shape_cast %broadcast_in_dim3A_7 : vector<16xf32> to vector<1x16xf32>
      tpu.vector_store %arg7[%swap3A_39, %swap3A_40], %swap3A_43 {strides = array<i32>} : memref<128x128xf32, #tpu.memory_space<vmem>>, vector<1x16xf32>,
      %swap3A_44 = arith.index_cast %add3A_34 : i32 to index
      %swap3A_45 = arith.constant 32 : index
      %swap3A_46 = tpu.vector_load %arg7[%swap3A_44, %swap3A_45] {strides = array<i32>} : memref<128x128xf32, #tpu.memory_space<vmem>>, vector<1x16xf32>,
      %swap3A_47 = vector.shape_cast %swap3A_46 : vector<1x16xf32> to vector<16xf32>
      %swap3A_48 = vector.shape_cast %broadcast_in_dim3A_7 : vector<16xf32> to vector<1x16xf32>
      tpu.vector_store %arg7[%swap3A_44, %swap3A_45], %swap3A_48 {strides = array<i32>} : memref<128x128xf32, #tpu.memory_space<vmem>>, vector<1x16xf32>,
      %swap3A_49 = arith.index_cast %add3A_34 : i32 to index
      %swap3A_50 = arith.constant 48 : index
      %swap3A_51 = tpu.vector_load %arg7[%swap3A_49, %swap3A_50] {strides = array<i32>} : memref<128x128xf32, #tpu.memory_space<vmem>>, vector<1x16xf32>,
      %swap3A_52 = vector.shape_cast %swap3A_51 : vector<1x16xf32> to vector<16xf32>
      %swap3A_53 = vector.shape_cast %broadcast_in_dim3A_7 : vector<16xf32> to vector<1x16xf32>
      tpu.vector_store %arg7[%swap3A_49, %swap3A_50], %swap3A_53 {strides = array<i32>} : memref<128x128xf32, #tpu.memory_space<vmem>>, vector<1x16xf32>,
      %swap3A_54 = arith.index_cast %add3A_34 : i32 to index
      %swap3A_55 = arith.constant 64 : index
      %swap3A_56 = tpu.vector_load %arg7[%swap3A_54, %swap3A_55] {strides = array<i32>} : memref<128x128xf32, #tpu.memory_space<vmem>>, vector<1x16xf32>,
      %swap3A_57 = vector.shape_cast %swap3A_56 : vector<1x16xf32> to vector<16xf32>
      %swap3A_58 = vector.shape_cast %broadcast_in_dim3A_7 : vector<16xf32> to vector<1x16xf32>
      tpu.vector_store %arg7[%swap3A_54, %swap3A_55], %swap3A_58 {strides = array<i32>} : memref<128x128xf32, #tpu.memory_space<vmem>>, vector<1x16xf32>,
      %swap3A_59 = arith.index_cast %add3A_34 : i32 to index
      %swap3A_60 = arith.constant 80 : index
      %swap3A_61 = tpu.vector_load %arg7[%swap3A_59, %swap3A_60] {strides = array<i32>} : memref<128x128xf32, #tpu.memory_space<vmem>>, vector<1x16xf32>,
      %swap3A_62 = vector.shape_cast %swap3A_61 : vector<1x16xf32> to vector<16xf32>
      %swap3A_63 = vector.shape_cast %broadcast_in_dim3A_7 : vector<16xf32> to vector<1x16xf32>
      tpu.vector_store %arg7[%swap3A_59, %swap3A_60], %swap3A_63 {strides = array<i32>} : memref<128x128xf32, #tpu.memory_space<vmem>>, vector<1x16xf32>,
      %swap3A_64 = arith.index_cast %add3A_34 : i32 to index
      %swap3A_65 = arith.constant 96 : index
      %swap3A_66 = tpu.vector_load %arg7[%swap3A_64, %swap3A_65] {strides = array<i32>} : memref<128x128xf32, #tpu.memory_space<vmem>>, vector<1x16xf32>,
      %swap3A_67 = vector.shape_cast %swap3A_66 : vector<1x16xf32> to vector<16xf32>
      %swap3A_68 = vector.shape_cast %broadcast_in_dim3A_7 : vector<16xf32> to vector<1x16xf32>
      tpu.vector_store %arg7[%swap3A_64, %swap3A_65], %swap3A_68 {strides = array<i32>} : memref<128x128xf32, #tpu.memory_space<vmem>>, vector<1x16xf32>,
      %swap3A_69 = arith.index_cast %add3A_34 : i32 to index
      %swap3A_70 = arith.constant 112 : index
      %swap3A_71 = tpu.vector_load %arg7[%swap3A_69, %swap3A_70] {strides = array<i32>} : memref<128x128xf32, #tpu.memory_space<vmem>>, vector<1x16xf32>,
      %swap3A_72 = vector.shape_cast %swap3A_71 : vector<1x16xf32> to vector<16xf32>
      %swap3A_73 = vector.shape_cast %broadcast_in_dim3A_7 : vector<16xf32> to vector<1x16xf32>
      tpu.vector_store %arg7[%swap3A_69, %swap3A_70], %swap3A_73 {strides = array<i32>} : memref<128x128xf32, #tpu.memory_space<vmem>>, vector<1x16xf32>,
    }
    %scan3A_11 = arith.constant 128 : i32
    %mul3A_12 = arith.constant 632 : i32
    %mul3A_13 = arith.muli %arg1, %mul3A_12 : i32
    %add3A_14 = arith.constant 0 : i32
    %add3A_15 = arith.addi %mul3A_13, %add3A_14 : i32
    "tpu.region"() ({
      %run_scoped3A = tpu.sem_alloc : memref<!tpu.dma_semaphore, #tpu.memory_space<semaphore_mem>>
      %dma_start3A = arith.constant 0 : i32
      %dma_start3A_30 = tpu.memref_slice %arg5[%add3A_15, %dma_start3A] : memref<10112x128xf32, #tpu.memory_space<vmem_shared>> -> memref<128x128xf32, #tpu.memory_space<vmem_shared>>
      %dma_start3A_31 = arith.constant 0 : i32
      %dma_start3A_32 = tpu.memref_slice %arg5[%add3A_15, %dma_start3A_31] : memref<10112x128xf32, #tpu.memory_space<vmem_shared>> -> memref<128x128xf32, #tpu.memory_space<vmem_shared>>
      tpu.enqueue_dma source(%arg7 : memref<128x128xf32, #tpu.memory_space<vmem>>) target(%dma_start3A_32 : memref<128x128xf32, #tpu.memory_space<vmem_shared>>) target_semaphore(%run_scoped3A : memref<!tpu.dma_semaphore, #tpu.memory_space<semaphore_mem>>)
      %dma_wait3A = arith.constant 0 : i32
      %dma_wait3A_33 = tpu.memref_slice %arg5[%add3A_15, %dma_wait3A] : memref<10112x128xf32, #tpu.memory_space<vmem_shared>> -> memref<128x128xf32, #tpu.memory_space<vmem_shared>>
      %dma_wait3A_34 = arith.constant 0 : i32
      %dma_wait3A_35 = tpu.memref_slice %arg5[%add3A_15, %dma_wait3A_34] : memref<10112x128xf32, #tpu.memory_space<vmem_shared>> -> memref<128x128xf32, #tpu.memory_space<vmem_shared>>
      tpu.wait_dma2 semaphore(%run_scoped3A : memref<!tpu.dma_semaphore, #tpu.memory_space<semaphore_mem>>) src(%arg7 : memref<128x128xf32, #tpu.memory_space<vmem>>) dst(%dma_wait3A_35 : memref<128x128xf32, #tpu.memory_space<vmem_shared>>)
      tpu.yield
    }) : () -> ()
    %add3A_16 = arith.constant 128 : i32
    %add3A_17 = arith.addi %mul3A_13, %add3A_16 : i32
    "tpu.region"() ({
      %run_scoped3A = tpu.sem_alloc : memref<!tpu.dma_semaphore, #tpu.memory_space<semaphore_mem>>
      %dma_start3A = arith.constant 0 : i32
      %dma_start3A_30 = tpu.memref_slice %arg5[%add3A_17, %dma_start3A] : memref<10112x128xf32, #tpu.memory_space<vmem_shared>> -> memref<128x128xf32, #tpu.memory_space<vmem_shared>>
      %dma_start3A_31 = arith.constant 0 : i32
      %dma_start3A_32 = tpu.memref_slice %arg5[%add3A_17, %dma_start3A_31] : memref<10112x128xf32, #tpu.memory_space<vmem_shared>> -> memref<128x128xf32, #tpu.memory_space<vmem_shared>>
      tpu.enqueue_dma source(%arg7 : memref<128x128xf32, #tpu.memory_space<vmem>>) target(%dma_start3A_32 : memref<128x128xf32, #tpu.memory_space<vmem_shared>>) target_semaphore(%run_scoped3A : memref<!tpu.dma_semaphore, #tpu.memory_space<semaphore_mem>>)
      %dma_wait3A = arith.constant 0 : i32
      %dma_wait3A_33 = tpu.memref_slice %arg5[%add3A_17, %dma_wait3A] : memref<10112x128xf32, #tpu.memory_space<vmem_shared>> -> memref<128x128xf32, #tpu.memory_space<vmem_shared>>
      %dma_wait3A_34 = arith.constant 0 : i32
      %dma_wait3A_35 = tpu.memref_slice %arg5[%add3A_17, %dma_wait3A_34] : memref<10112x128xf32, #tpu.memory_space<vmem_shared>> -> memref<128x128xf32, #tpu.memory_space<vmem_shared>>
      tpu.wait_dma2 semaphore(%run_scoped3A : memref<!tpu.dma_semaphore, #tpu.memory_space<semaphore_mem>>) src(%arg7 : memref<128x128xf32, #tpu.memory_space<vmem>>) dst(%dma_wait3A_35 : memref<128x128xf32, #tpu.memory_space<vmem_shared>>)
      tpu.yield
    }) : () -> ()
    %add3A_18 = arith.constant 256 : i32
    %add3A_19 = arith.addi %mul3A_13, %add3A_18 : i32
    "tpu.region"() ({
      %run_scoped3A = tpu.sem_alloc : memref<!tpu.dma_semaphore, #tpu.memory_space<semaphore_mem>>
      %dma_start3A = arith.constant 0 : i32
      %dma_start3A_30 = tpu.memref_slice %arg5[%add3A_19, %dma_start3A] : memref<10112x128xf32, #tpu.memory_space<vmem_shared>> -> memref<128x128xf32, #tpu.memory_space<vmem_shared>>
      %dma_start3A_31 = arith.constant 0 : i32
      %dma_start3A_32 = tpu.memref_slice %arg5[%add3A_19, %dma_start3A_31] : memref<10112x128xf32, #tpu.memory_space<vmem_shared>> -> memref<128x128xf32, #tpu.memory_space<vmem_shared>>
      tpu.enqueue_dma source(%arg7 : memref<128x128xf32, #tpu.memory_space<vmem>>) target(%dma_start3A_32 : memref<128x128xf32, #tpu.memory_space<vmem_shared>>) target_semaphore(%run_scoped3A : memref<!tpu.dma_semaphore, #tpu.memory_space<semaphore_mem>>)
      %dma_wait3A = arith.constant 0 : i32
      %dma_wait3A_33 = tpu.memref_slice %arg5[%add3A_19, %dma_wait3A] : memref<10112x128xf32, #tpu.memory_space<vmem_shared>> -> memref<128x128xf32, #tpu.memory_space<vmem_shared>>
      %dma_wait3A_34 = arith.constant 0 : i32
      %dma_wait3A_35 = tpu.memref_slice %arg5[%add3A_19, %dma_wait3A_34] : memref<10112x128xf32, #tpu.memory_space<vmem_shared>> -> memref<128x128xf32, #tpu.memory_space<vmem_shared>>
      tpu.wait_dma2 semaphore(%run_scoped3A : memref<!tpu.dma_semaphore, #tpu.memory_space<semaphore_mem>>) src(%arg7 : memref<128x128xf32, #tpu.memory_space<vmem>>) dst(%dma_wait3A_35 : memref<128x128xf32, #tpu.memory_space<vmem_shared>>)
      tpu.yield
    }) : () -> ()
    %add3A_20 = arith.constant 384 : i32
    %add3A_21 = arith.addi %mul3A_13, %add3A_20 : i32
    "tpu.region"() ({
      %run_scoped3A = tpu.sem_alloc : memref<!tpu.dma_semaphore, #tpu.memory_space<semaphore_mem>>
      %dma_start3A = arith.constant 0 : i32
      %dma_start3A_30 = tpu.memref_slice %arg5[%add3A_21, %dma_start3A] : memref<10112x128xf32, #tpu.memory_space<vmem_shared>> -> memref<128x128xf32, #tpu.memory_space<vmem_shared>>
      %dma_start3A_31 = arith.constant 0 : i32
      %dma_start3A_32 = tpu.memref_slice %arg5[%add3A_21, %dma_start3A_31] : memref<10112x128xf32, #tpu.memory_space<vmem_shared>> -> memref<128x128xf32, #tpu.memory_space<vmem_shared>>
      tpu.enqueue_dma source(%arg7 : memref<128x128xf32, #tpu.memory_space<vmem>>) target(%dma_start3A_32 : memref<128x128xf32, #tpu.memory_space<vmem_shared>>) target_semaphore(%run_scoped3A : memref<!tpu.dma_semaphore, #tpu.memory_space<semaphore_mem>>)
      %dma_wait3A = arith.constant 0 : i32
      %dma_wait3A_33 = tpu.memref_slice %arg5[%add3A_21, %dma_wait3A] : memref<10112x128xf32, #tpu.memory_space<vmem_shared>> -> memref<128x128xf32, #tpu.memory_space<vmem_shared>>
      %dma_wait3A_34 = arith.constant 0 : i32
      %dma_wait3A_35 = tpu.memref_slice %arg5[%add3A_21, %dma_wait3A_34] : memref<10112x128xf32, #tpu.memory_space<vmem_shared>> -> memref<128x128xf32, #tpu.memory_space<vmem_shared>>
      tpu.wait_dma2 semaphore(%run_scoped3A : memref<!tpu.dma_semaphore, #tpu.memory_space<semaphore_mem>>) src(%arg7 : memref<128x128xf32, #tpu.memory_space<vmem>>) dst(%dma_wait3A_35 : memref<128x128xf32, #tpu.memory_space<vmem_shared>>)
      tpu.yield
    }) : () -> ()
    %add3A_22 = arith.constant 512 : i32
    %add3A_23 = arith.addi %mul3A_13, %add3A_22 : i32
    "tpu.region"() ({
      %run_scoped3A = tpu.sem_alloc : memref<!tpu.dma_semaphore, #tpu.memory_space<semaphore_mem>>
      %dma_start3A = arith.constant 0 : i32
      %dma_start3A_30 = arith.constant 0 : i32
      %dma_start3A_31 = tpu.memref_slice %arg7[%dma_start3A, %dma_start3A_30] : memref<128x128xf32, #tpu.memory_space<vmem>> -> memref<120x128xf32, #tpu.memory_space<vmem>>
      %dma_start3A_32 = arith.constant 0 : i32
      %dma_start3A_33 = tpu.memref_slice %arg5[%add3A_23, %dma_start3A_32] : memref<10112x128xf32, #tpu.memory_space<vmem_shared>> -> memref<120x128xf32, #tpu.memory_space<vmem_shared>>
      %dma_start3A_34 = arith.constant 0 : i32
      %dma_start3A_35 = tpu.memref_slice %arg5[%add3A_23, %dma_start3A_34] : memref<10112x128xf32, #tpu.memory_space<vmem_shared>> -> memref<120x128xf32, #tpu.memory_space<vmem_shared>>
      %dma_start3A_36 = arith.constant 0 : i32
      %dma_start3A_37 = arith.constant 0 : i32
      %dma_start3A_38 = tpu.memref_slice %arg7[%dma_start3A_36, %dma_start3A_37] : memref<128x128xf32, #tpu.memory_space<vmem>> -> memref<120x128xf32, #tpu.memory_space<vmem>>
      tpu.enqueue_dma source(%dma_start3A_38 : memref<120x128xf32, #tpu.memory_space<vmem>>) target(%dma_start3A_35 : memref<120x128xf32, #tpu.memory_space<vmem_shared>>) target_semaphore(%run_scoped3A : memref<!tpu.dma_semaphore, #tpu.memory_space<semaphore_mem>>)
      %dma_wait3A = arith.constant 0 : i32
      %dma_wait3A_39 = arith.constant 0 : i32
      %dma_wait3A_40 = tpu.memref_slice %arg7[%dma_wait3A, %dma_wait3A_39] : memref<128x128xf32, #tpu.memory_space<vmem>> -> memref<120x128xf32, #tpu.memory_space<vmem>>
      %dma_wait3A_41 = arith.constant 0 : i32
      %dma_wait3A_42 = tpu.memref_slice %arg5[%add3A_23, %dma_wait3A_41] : memref<10112x128xf32, #tpu.memory_space<vmem_shared>> -> memref<120x128xf32, #tpu.memory_space<vmem_shared>>
      %dma_wait3A_43 = arith.constant 0 : i32
      %dma_wait3A_44 = tpu.memref_slice %arg5[%add3A_23, %dma_wait3A_43] : memref<10112x128xf32, #tpu.memory_space<vmem_shared>> -> memref<120x128xf32, #tpu.memory_space<vmem_shared>>
      %dma_wait3A_45 = arith.constant 0 : i32
      %dma_wait3A_46 = arith.constant 0 : i32
      %dma_wait3A_47 = tpu.memref_slice %arg7[%dma_wait3A_45, %dma_wait3A_46] : memref<128x128xf32, #tpu.memory_space<vmem>> -> memref<120x128xf32, #tpu.memory_space<vmem>>
      tpu.wait_dma2 semaphore(%run_scoped3A : memref<!tpu.dma_semaphore, #tpu.memory_space<semaphore_mem>>) src(%dma_wait3A_47 : memref<120x128xf32, #tpu.memory_space<vmem>>) dst(%dma_wait3A_44 : memref<120x128xf32, #tpu.memory_space<vmem_shared>>)
      tpu.yield
    }) : () -> ()
    %barrier3A = arith.constant 0 : index
    tpu.barrier barrier_id(%barrier3A)
    %scan3A_24 = arith.constant 0 : i32
    %scan3A_25 = arith.constant 2 : i32
    %scan3A_26 = arith.addi %scan3A_24, %scan3A_25 : i32
    %scan3A_27 = arith.constant 1 : i32
    scf.for %scan3A_30 = %scan3A_24 to %scan3A_26 step %scan3A_27  : i32 {
      %mul3A_31 = arith.constant 1 : i32
      %mul3A_32 = arith.muli %scan3A_30, %mul3A_31 : i32
      %add3A_33 = arith.constant 0 : i32
      %add3A_34 = arith.addi %add3A_33, %mul3A_32 : i32
      %mul3A_35 = arith.constant 59 : i32
      %mul3A_36 = arith.muli %add3A_34, %mul3A_35 : i32
      %add3A_37 = arith.addi %add3A, %mul3A_36 : i32
      "tpu.region"() ({
        %run_scoped3A = tpu.sem_alloc : memref<!tpu.dma_semaphore, #tpu.memory_space<semaphore_mem>>
        %dma_start3A = arith.constant 0 : i32
        %dma_start3A_48 = arith.constant 0 : i32
        %dma_start3A_49 = tpu.memref_slice %arg3[%add3A_37, %dma_start3A, %dma_start3A_48] : memref<2606x2x128xi32, #tpu.memory_space<hbm>> -> memref<59x2x128xi32, #tpu.memory_space<hbm>>
        %dma_start3A_50 = arith.constant 0 : i32
        %dma_start3A_51 = arith.constant 0 : i32
        %dma_start3A_52 = tpu.memref_slice %arg3[%add3A_37, %dma_start3A_50, %dma_start3A_51] : memref<2606x2x128xi32, #tpu.memory_space<hbm>> -> memref<59x2x128xi32, #tpu.memory_space<hbm>>
        tpu.enqueue_dma source(%dma_start3A_52 : memref<59x2x128xi32, #tpu.memory_space<hbm>>) target(%arg6 : memref<59x2x128xi32, #tpu.memory_space<vmem>>) target_semaphore(%run_scoped3A : memref<!tpu.dma_semaphore, #tpu.memory_space<semaphore_mem>>)
        %dma_wait3A = arith.constant 0 : i32
        %dma_wait3A_53 = arith.constant 0 : i32
        %dma_wait3A_54 = tpu.memref_slice %arg3[%add3A_37, %dma_wait3A, %dma_wait3A_53] : memref<2606x2x128xi32, #tpu.memory_space<hbm>> -> memref<59x2x128xi32, #tpu.memory_space<hbm>>
        %dma_wait3A_55 = arith.constant 0 : i32
        %dma_wait3A_56 = arith.constant 0 : i32
        %dma_wait3A_57 = tpu.memref_slice %arg3[%add3A_37, %dma_wait3A_55, %dma_wait3A_56] : memref<2606x2x128xi32, #tpu.memory_space<hbm>> -> memref<59x2x128xi32, #tpu.memory_space<hbm>>
        tpu.wait_dma2 semaphore(%run_scoped3A : memref<!tpu.dma_semaphore, #tpu.memory_space<semaphore_mem>>) src(%dma_wait3A_57 : memref<59x2x128xi32, #tpu.memory_space<hbm>>) dst(%arg6 : memref<59x2x128xi32, #tpu.memory_space<vmem>>)
        tpu.yield
      }) : () -> ()
      %mul3A_38 = arith.constant 59 : i32
      %mul3A_39 = arith.muli %add3A_34, %mul3A_38 : i32
      %sub3A = arith.subi %select_n3A_2, %mul3A_39 : i32
      %min3A = arith.constant 59 : i32
      %min3A_40 = arith.minsi %sub3A, %min3A : i32
      %gt3A = arith.constant 0 : i32
      %gt3A_41 = arith.cmpi sgt, %min3A_40, %gt3A : i32
      %convert_element_type3A = arith.extui %gt3A_41 : i1 to i32
      %cond3A = arith.constant 0 : i32
      %cond3A_42 = arith.cmpi ne, %convert_element_type3A, %cond3A : i32
      scf.if %cond3A_42 {
        %dma_start3A = arith.constant 0 : i32
        %dma_start3A_48 = arith.constant 0 : i32
        %dma_start3A_49 = arith.constant 0 : i32
        %dma_start3A_50 = tpu.memref_slice %arg6[%dma_start3A, %dma_start3A_48, %dma_start3A_49] : memref<59x2x128xi32, #tpu.memory_space<vmem>> -> memref<1x1x128xi32, #tpu.memory_space<vmem>>
        %dma_start3A_51 = tpu.memref_squeeze %dma_start3A_50 : memref<1x1x128xi32, #tpu.memory_space<vmem>> -> memref<128xi32, #tpu.memory_space<vmem>>
        %dma_start3A_52 = arith.constant 0 : i32
        %dma_start3A_53 = arith.constant 0 : i32
        %dma_start3A_54 = tpu.memref_slice %arg2[%dma_start3A_52, %dma_start3A_53] : memref<10000x128xf32, #tpu.memory_space<hbm>> -> memref<10000x128xf32, #tpu.memory_space<hbm>>
        tpu.enqueue_indirect_dma source(%dma_start3A_54 : memref<10000x128xf32, #tpu.memory_space<hbm>>) target(%arg7 : memref<128x128xf32, #tpu.memory_space<vmem>>) offsets(%dma_start3A_51 : memref<128xi32, #tpu.memory_space<vmem>>) semaphore(%arg9 : memref<!tpu.dma_semaphore, #tpu.memory_space<semaphore_mem>>)
      } else {
      }
      %scan3A_43 = arith.constant 0 : i32
      %scan3A_44 = arith.constant 30 : i32
      %scan3A_45 = arith.addi %scan3A_43, %scan3A_44 : i32
      %scan3A_46 = arith.constant 1 : i32
      scf.for %scan3A_48 = %scan3A_43 to %scan3A_45 step %scan3A_46  : i32 {
        %mul3A_49 = arith.constant 1 : i32
        %mul3A_50 = arith.muli %scan3A_48, %mul3A_49 : i32
        %add3A_51 = arith.constant 0 : i32
        %add3A_52 = arith.addi %add3A_51, %mul3A_50 : i32
        %mul3A_53 = arith.constant 2 : i32
        %mul3A_54 = arith.muli %mul3A_53, %add3A_52 : i32
        %add3A_55 = arith.constant 0 : i32
        %add3A_56 = arith.addi %mul3A_54, %add3A_55 : i32
        %lt3A = arith.cmpi slt, %add3A_56, %min3A_40 : i32
        %convert_element_type3A_57 = arith.extui %lt3A : i1 to i32
        %cond3A_58 = arith.constant 0 : i32
        %cond3A_59 = arith.cmpi ne, %convert_element_type3A_57, %cond3A_58 : i32
        scf.if %cond3A_59 {
          %dma_wait3A = arith.constant 0 : i32
          %dma_wait3A_68 = arith.constant 0 : i32
          %dma_wait3A_69 = arith.constant 0 : i32
          %dma_wait3A_70 = tpu.memref_slice %arg6[%dma_wait3A, %dma_wait3A_68, %dma_wait3A_69] : memref<59x2x128xi32, #tpu.memory_space<vmem>> -> memref<1x1x128xi32, #tpu.memory_space<vmem>>
          %dma_wait3A_71 = tpu.memref_squeeze %dma_wait3A_70 : memref<1x1x128xi32, #tpu.memory_space<vmem>> -> memref<128xi32, #tpu.memory_space<vmem>>
          %dma_wait3A_72 = arith.constant 0 : i32
          %dma_wait3A_73 = arith.constant 0 : i32
          %dma_wait3A_74 = tpu.memref_slice %arg2[%dma_wait3A_72, %dma_wait3A_73] : memref<10000x128xf32, #tpu.memory_space<hbm>> -> memref<10000x128xf32, #tpu.memory_space<hbm>>
          tpu.wait_indirect_dma semaphore(%arg9 : memref<!tpu.dma_semaphore, #tpu.memory_space<semaphore_mem>>) src(%dma_wait3A_74 : memref<10000x128xf32, #tpu.memory_space<hbm>>) dst(%arg7 : memref<128x128xf32, #tpu.memory_space<vmem>>)
          %add3A_75 = arith.constant 1 : i32
          %add3A_76 = arith.addi %add3A_56, %add3A_75 : i32
          %lt3A_77 = arith.cmpi slt, %add3A_76, %min3A_40 : i32
          %convert_element_type3A_78 = arith.extui %lt3A_77 : i1 to i32
          %cond3A_79 = arith.constant 0 : i32
          %cond3A_80 = arith.cmpi ne, %convert_element_type3A_78, %cond3A_79 : i32
          scf.if %cond3A_80 {
            %add3A_81 = arith.constant 1 : i32
            %add3A_82 = arith.addi %add3A_56, %add3A_81 : i32
            %dma_start3A = arith.constant 0 : i32
            %dma_start3A_83 = arith.constant 0 : i32
            %dma_start3A_84 = tpu.memref_slice %arg6[%add3A_82, %dma_start3A, %dma_start3A_83] : memref<59x2x128xi32, #tpu.memory_space<vmem>> -> memref<1x1x128xi32, #tpu.memory_space<vmem>>
            %dma_start3A_85 = tpu.memref_squeeze %dma_start3A_84 : memref<1x1x128xi32, #tpu.memory_space<vmem>> -> memref<128xi32, #tpu.memory_space<vmem>>
            %dma_start3A_86 = arith.constant 0 : i32
            %dma_start3A_87 = arith.constant 0 : i32
            %dma_start3A_88 = tpu.memref_slice %arg2[%dma_start3A_86, %dma_start3A_87] : memref<10000x128xf32, #tpu.memory_space<hbm>> -> memref<10000x128xf32, #tpu.memory_space<hbm>>
            tpu.enqueue_indirect_dma source(%dma_start3A_88 : memref<10000x128xf32, #tpu.memory_space<hbm>>) target(%arg8 : memref<128x128xf32, #tpu.memory_space<vmem>>) offsets(%dma_start3A_85 : memref<128xi32, #tpu.memory_space<vmem>>) semaphore(%arg10 : memref<!tpu.dma_semaphore, #tpu.memory_space<semaphore_mem>>)
          } else {
          }
          %run_scoped3A = arith.constant 1 : i32
          "tpu.region"() ({
            %run_scoped3A_81 = tpu.sem_alloc : memref<!tpu.dma_semaphore, #tpu.memory_space<semaphore_mem>>
            %dma_start3A = arith.constant 0 : i32
            %dma_start3A_82 = tpu.memref_slice %arg6[%add3A_56, %run_scoped3A, %dma_start3A] : memref<59x2x128xi32, #tpu.memory_space<vmem>> -> memref<1x1x128xi32, #tpu.memory_space<vmem>>
            %dma_start3A_83 = tpu.memref_squeeze %dma_start3A_82 : memref<1x1x128xi32, #tpu.memory_space<vmem>> -> memref<128xi32, #tpu.memory_space<vmem>>
            %dma_start3A_84 = arith.constant 0 : i32
            %dma_start3A_85 = arith.constant 0 : i32
            %dma_start3A_86 = tpu.memref_slice %arg5[%dma_start3A_84, %dma_start3A_85] : memref<10112x128xf32, #tpu.memory_space<vmem_shared>> -> memref<10112x128xf32, #tpu.memory_space<vmem_shared>>
            tpu.enqueue_indirect_dma source(%arg7 : memref<128x128xf32, #tpu.memory_space<vmem>>) target(%dma_start3A_86 : memref<10112x128xf32, #tpu.memory_space<vmem_shared>>) offsets(%dma_start3A_83 : memref<128xi32, #tpu.memory_space<vmem>>) semaphore(%run_scoped3A_81 : memref<!tpu.dma_semaphore, #tpu.memory_space<semaphore_mem>>) {add = true}
            %dma_wait3A_87 = arith.constant 0 : i32
            %dma_wait3A_88 = tpu.memref_slice %arg6[%add3A_56, %run_scoped3A, %dma_wait3A_87] : memref<59x2x128xi32, #tpu.memory_space<vmem>> -> memref<1x1x128xi32, #tpu.memory_space<vmem>>
            %dma_wait3A_89 = tpu.memref_squeeze %dma_wait3A_88 : memref<1x1x128xi32, #tpu.memory_space<vmem>> -> memref<128xi32, #tpu.memory_space<vmem>>
            %dma_wait3A_90 = arith.constant 0 : i32
            %dma_wait3A_91 = arith.constant 0 : i32
            %dma_wait3A_92 = tpu.memref_slice %arg5[%dma_wait3A_90, %dma_wait3A_91] : memref<10112x128xf32, #tpu.memory_space<vmem_shared>> -> memref<10112x128xf32, #tpu.memory_space<vmem_shared>>
            tpu.wait_indirect_dma semaphore(%run_scoped3A_81 : memref<!tpu.dma_semaphore, #tpu.memory_space<semaphore_mem>>) src(%arg7 : memref<128x128xf32, #tpu.memory_space<vmem>>) dst(%dma_wait3A_92 : memref<10112x128xf32, #tpu.memory_space<vmem_shared>>)
            tpu.yield
          }) : () -> ()
        } else {
        }
        %mul3A_60 = arith.constant 2 : i32
        %mul3A_61 = arith.muli %mul3A_60, %add3A_52 : i32
        %add3A_62 = arith.constant 1 : i32
        %add3A_63 = arith.addi %mul3A_61, %add3A_62 : i32
        %lt3A_64 = arith.cmpi slt, %add3A_63, %min3A_40 : i32
        %convert_element_type3A_65 = arith.extui %lt3A_64 : i1 to i32
        %cond3A_66 = arith.constant 0 : i32
        %cond3A_67 = arith.cmpi ne, %convert_element_type3A_65, %cond3A_66 : i32
        scf.if %cond3A_67 {
          %dma_wait3A = arith.constant 0 : i32
          %dma_wait3A_68 = arith.constant 0 : i32
          %dma_wait3A_69 = arith.constant 0 : i32
          %dma_wait3A_70 = tpu.memref_slice %arg6[%dma_wait3A, %dma_wait3A_68, %dma_wait3A_69] : memref<59x2x128xi32, #tpu.memory_space<vmem>> -> memref<1x1x128xi32, #tpu.memory_space<vmem>>
          %dma_wait3A_71 = tpu.memref_squeeze %dma_wait3A_70 : memref<1x1x128xi32, #tpu.memory_space<vmem>> -> memref<128xi32, #tpu.memory_space<vmem>>
          %dma_wait3A_72 = arith.constant 0 : i32
          %dma_wait3A_73 = arith.constant 0 : i32
          %dma_wait3A_74 = tpu.memref_slice %arg2[%dma_wait3A_72, %dma_wait3A_73] : memref<10000x128xf32, #tpu.memory_space<hbm>> -> memref<10000x128xf32, #tpu.memory_space<hbm>>
          tpu.wait_indirect_dma semaphore(%arg10 : memref<!tpu.dma_semaphore, #tpu.memory_space<semaphore_mem>>) src(%dma_wait3A_74 : memref<10000x128xf32, #tpu.memory_space<hbm>>) dst(%arg8 : memref<128x128xf32, #tpu.memory_space<vmem>>)
          %add3A_75 = arith.constant 1 : i32
          %add3A_76 = arith.addi %add3A_63, %add3A_75 : i32
          %lt3A_77 = arith.cmpi slt, %add3A_76, %min3A_40 : i32
          %convert_element_type3A_78 = arith.extui %lt3A_77 : i1 to i32
          %cond3A_79 = arith.constant 0 : i32
          %cond3A_80 = arith.cmpi ne, %convert_element_type3A_78, %cond3A_79 : i32
          scf.if %cond3A_80 {
            %add3A_81 = arith.constant 1 : i32
            %add3A_82 = arith.addi %add3A_63, %add3A_81 : i32
            %dma_start3A = arith.constant 0 : i32
            %dma_start3A_83 = arith.constant 0 : i32
            %dma_start3A_84 = tpu.memref_slice %arg6[%add3A_82, %dma_start3A, %dma_start3A_83] : memref<59x2x128xi32, #tpu.memory_space<vmem>> -> memref<1x1x128xi32, #tpu.memory_space<vmem>>
            %dma_start3A_85 = tpu.memref_squeeze %dma_start3A_84 : memref<1x1x128xi32, #tpu.memory_space<vmem>> -> memref<128xi32, #tpu.memory_space<vmem>>
            %dma_start3A_86 = arith.constant 0 : i32
            %dma_start3A_87 = arith.constant 0 : i32
            %dma_start3A_88 = tpu.memref_slice %arg2[%dma_start3A_86, %dma_start3A_87] : memref<10000x128xf32, #tpu.memory_space<hbm>> -> memref<10000x128xf32, #tpu.memory_space<hbm>>
            tpu.enqueue_indirect_dma source(%dma_start3A_88 : memref<10000x128xf32, #tpu.memory_space<hbm>>) target(%arg7 : memref<128x128xf32, #tpu.memory_space<vmem>>) offsets(%dma_start3A_85 : memref<128xi32, #tpu.memory_space<vmem>>) semaphore(%arg9 : memref<!tpu.dma_semaphore, #tpu.memory_space<semaphore_mem>>)
          } else {
          }
          %run_scoped3A = arith.constant 1 : i32
          "tpu.region"() ({
            %run_scoped3A_81 = tpu.sem_alloc : memref<!tpu.dma_semaphore, #tpu.memory_space<semaphore_mem>>
            %dma_start3A = arith.constant 0 : i32
            %dma_start3A_82 = tpu.memref_slice %arg6[%add3A_63, %run_scoped3A, %dma_start3A] : memref<59x2x128xi32, #tpu.memory_space<vmem>> -> memref<1x1x128xi32, #tpu.memory_space<vmem>>
            %dma_start3A_83 = tpu.memref_squeeze %dma_start3A_82 : memref<1x1x128xi32, #tpu.memory_space<vmem>> -> memref<128xi32, #tpu.memory_space<vmem>>
            %dma_start3A_84 = arith.constant 0 : i32
            %dma_start3A_85 = arith.constant 0 : i32
            %dma_start3A_86 = tpu.memref_slice %arg5[%dma_start3A_84, %dma_start3A_85] : memref<10112x128xf32, #tpu.memory_space<vmem_shared>> -> memref<10112x128xf32, #tpu.memory_space<vmem_shared>>
            tpu.enqueue_indirect_dma source(%arg8 : memref<128x128xf32, #tpu.memory_space<vmem>>) target(%dma_start3A_86 : memref<10112x128xf32, #tpu.memory_space<vmem_shared>>) offsets(%dma_start3A_83 : memref<128xi32, #tpu.memory_space<vmem>>) semaphore(%run_scoped3A_81 : memref<!tpu.dma_semaphore, #tpu.memory_space<semaphore_mem>>) {add = true}
            %dma_wait3A_87 = arith.constant 0 : i32
            %dma_wait3A_88 = tpu.memref_slice %arg6[%add3A_63, %run_scoped3A, %dma_wait3A_87] : memref<59x2x128xi32, #tpu.memory_space<vmem>> -> memref<1x1x128xi32, #tpu.memory_space<vmem>>
            %dma_wait3A_89 = tpu.memref_squeeze %dma_wait3A_88 : memref<1x1x128xi32, #tpu.memory_space<vmem>> -> memref<128xi32, #tpu.memory_space<vmem>>
            %dma_wait3A_90 = arith.constant 0 : i32
            %dma_wait3A_91 = arith.constant 0 : i32
            %dma_wait3A_92 = tpu.memref_slice %arg5[%dma_wait3A_90, %dma_wait3A_91] : memref<10112x128xf32, #tpu.memory_space<vmem_shared>> -> memref<10112x128xf32, #tpu.memory_space<vmem_shared>>
            tpu.wait_indirect_dma semaphore(%run_scoped3A_81 : memref<!tpu.dma_semaphore, #tpu.memory_space<semaphore_mem>>) src(%arg8 : memref<128x128xf32, #tpu.memory_space<vmem>>) dst(%dma_wait3A_92 : memref<10112x128xf32, #tpu.memory_space<vmem_shared>>)
            tpu.yield
          }) : () -> ()
        } else {
        }
      }
      %scan3A_47 = arith.constant 30 : i32
    }
    %scan3A_28 = arith.constant 2 : i32
    %barrier3A_29 = arith.constant 0 : index
    tpu.barrier barrier_id(%barrier3A_29)
    "tpu.region"() ({
      %run_scoped3A = tpu.sem_alloc : memref<!tpu.dma_semaphore, #tpu.memory_space<semaphore_mem>>
      %dma_start3A = arith.constant 0 : i32
      %dma_start3A_30 = tpu.memref_slice %arg4[%arg0, %mul3A_13, %dma_start3A] : memref<2x10112x128xf32, #tpu.memory_space<hbm>> -> memref<1x632x128xf32, #tpu.memory_space<hbm>>
      %dma_start3A_31 = tpu.memref_squeeze %dma_start3A_30 : memref<1x632x128xf32, #tpu.memory_space<hbm>> -> memref<632x128xf32, #tpu.memory_space<hbm>>
      %dma_start3A_32 = arith.constant 0 : i32
      %dma_start3A_33 = tpu.memref_slice %arg5[%mul3A_13, %dma_start3A_32] : memref<10112x128xf32, #tpu.memory_space<vmem_shared>> -> memref<632x128xf32, #tpu.memory_space<vmem_shared>>
      tpu.enqueue_dma source(%dma_start3A_33 : memref<632x128xf32, #tpu.memory_space<vmem_shared>>) target(%dma_start3A_31 : memref<632x128xf32, #tpu.memory_space<hbm>>) target_semaphore(%run_scoped3A : memref<!tpu.dma_semaphore, #tpu.memory_space<semaphore_mem>>)
      %dma_wait3A = arith.constant 0 : i32
      %dma_wait3A_34 = tpu.memref_slice %arg4[%arg0, %mul3A_13, %dma_wait3A] : memref<2x10112x128xf32, #tpu.memory_space<hbm>> -> memref<1x632x128xf32, #tpu.memory_space<hbm>>
      %dma_wait3A_35 = tpu.memref_squeeze %dma_wait3A_34 : memref<1x632x128xf32, #tpu.memory_space<hbm>> -> memref<632x128xf32, #tpu.memory_space<hbm>>
      %dma_wait3A_36 = arith.constant 0 : i32
      %dma_wait3A_37 = tpu.memref_slice %arg5[%mul3A_13, %dma_wait3A_36] : memref<10112x128xf32, #tpu.memory_space<vmem_shared>> -> memref<632x128xf32, #tpu.memory_space<vmem_shared>>
      tpu.wait_dma2 semaphore(%run_scoped3A : memref<!tpu.dma_semaphore, #tpu.memory_space<semaphore_mem>>) src(%dma_wait3A_37 : memref<632x128xf32, #tpu.memory_space<vmem_shared>>) dst(%dma_wait3A_35 : memref<632x128xf32, #tpu.memory_space<hbm>>)
      tpu.yield
    }) : () -> ()
    return
  }
}

</mosaic_0001>

<sc_bundles>
// kernel: _sc_agg.3.cloned.1.call-start
scs
__scs_entry_jumppad:
0x0: {  	(pc) =	sbr.rel $0x88, $3  }
0x1: {  	(tag) =	ssettag $0x0;
	lr =	simm.s32 $0x1  }
0x2: {  	[smem:$0x3F9F] =	sst lr;
	_ =	strace $0xD0000000  }
0x3: {  	_ = 	snop  }
0x4: {  	_ = 	snop  }
0x5: {  	_ = 	snop  }
0x6: {  	_ = 	snop  }
0x7: {  	_ = 	snop  }
__scs_overlays_trampoline_lowered:
0x8: {  	[smem:$0x3FAE] =	sst s0  }
0x9: {  	[smem:$0x3FAF] =	sst s1  }
0xa: {  	[smem:$0x3FB0] =	sst s2  }
0xb: {  	[smem:$0x3FB1] =	sst s3  }
0xc: {  	[smem:$0x3FB2] =	sst s4  }
0xd: {  	[smem:$0x3FB3] =	sst s5  }
0xe: {  	[smem:$0x3FB4] =	sst s6  }
0xf: {  	[smem:$0x3FB5] =	sst s7  }
0x10: {  	[smem:$0x3FB6] =	sst s8  }
0x11: {  	[smem:$0x3FB7] =	sst s9;
	s0 =	simm.s32 @!p0 $0x0  }
0x12: {  	s1 =	sld [smem:$0x3F9D];
	s0 =	simm.s32 @p0 $0x1  }
0x13: {  	[smem:$0x3FB8] =	sst s0;
	s0 =	simm.s32 @!p1 $0x0  }
0x14: {  	s2 =	sld [smem:$0x3F9C];
	s0 =	simm.s32 @p1 $0x1  }
0x15: {  	[smem:$0x3FB9] =	sst s0;
	s0 =	simm.s32 @!p2 $0x0  }
0x16: {  	s3 =	sld [smem:$0x3FDB];
	s0 =	simm.s32 @p2 $0x1  }
0x17: {  	s4 =	simm.s32 $0x1BF5;
	[smem:$0x3FBB] =	sst s0  }
0x18: {  	s0 =	sld [smem:$0x3F9E];
	_ =	swait.ge [sflag:s4], $0x0  }
0x19: {  	s7 =	sld [smem:$0x3F9F]  }
0x1a: {  	s8 =	sadd.s32 $0xFFFFE003, lr  }
0x1b: {  	s9 =	sadd.s32 $0xFFFFFEF7, lr;
	s5 =	simm.s32 $0xFFFFFFFF;
	p2 =	slt.u32 s8, $0xFFFFF086  }
0x1c: {  	p1 =	slt.u32 s9, $0xF7A;
	s5 =	simm.s32 @!p2 $0x0  }
0x1d: {  	s5 =	simm.s32 @p1 $0x1;
	p0 =	seq.s32 s7, s2  }
0x1e: {  	s7 =	smul.u32 @!p0 $0xF7A, s2;
	p2 =	seq.s32 @!p0 s5, $0x0  }
0x1f: {  	s9 =	smul.u32 $0xF7A, s1;
	s8 =	simm.s32 @!p0 $0x1BF5;
	p2 =	por !p2, p0  }
0x20: {  	[sflag:s8] =	ssyncset.s32 @!p0 $0xFFFFF086;
	s6 =	sadd.s32 @!p0 s3, s7;
	s7 =	simm.s32 @!p0 $0x108  }
0x21: {  	s3 =	sadd.s32 s3, s9;
	s6 =	sadd.s32 @!p0 $0x88, s6;
	s7 =	simm.s32 @p2 $0x1082  }
0x22: {  	[simem:s7], [sflag:s8] =	dma.local @!p0 [hbm:s6], $0xF7A  }
0x23: {  	s9 =	sor.u32 $0xD0000000, s2;
	s6 =	simm.s32 $0x108;
	_ =	swait.ge @!p0 [sflag:s8], $0x0  }
0x24: {  	s3 =	sadd.s32 $0x88, s3;
	s6 =	simm.s32 @!p1 $0x1082;
	[sflag:s4] =	ssyncset.s32 $0xFFFFF086  }
0x25: {  	[simem:s6], [sflag:s4] =	dma.local [hbm:s3], $0xF7A  }
0x26: {  	[smem:$0x3F9F] =	sst s1;
	(tag) =	ssettag s2;
	_ =	strace s9  }
0x27: {  	s1 =	sld [smem:$0x3FAF]  }
0x28: {  	s2 =	sld [smem:$0x3FB0]  }
0x29: {  	s4 =	sld [smem:$0x3FB2]  }
0x2a: {  	p0 =	seq.s32 s5, $0x0;
	s5 =	sld [smem:$0x3FB3]  }
0x2b: {  	s6 =	sld [smem:$0x3FB4]  }
0x2c: {  	s7 =	sld [smem:$0x3FB5]  }
0x2d: {  	s3 =	simm.s32 $0x108;
	s8 =	sld [smem:$0x3FB6]  }
0x2e: {  	s3 =	simm.s32 @!p0 $0x1082;
	s9 =	sld [smem:$0x3FB7]  }
0x2f: {  	lr =	sadd.s32 s0, s3;
	s0 =	sld [smem:$0x3FAE]  }
0x30: {  	s3 =	sld [smem:$0x3FB1]  }
0x31: {  	[smem:$0x3FBA] =	sst s10  }
0x32: {  	s10 =	sld [smem:$0x3FB8];
	_ =	sdelay $0x3  }
0x33: {  	p0 =	seq.s32 s10, $0x1;
	s10 =	sld [smem:$0x3FBA];
	_ =	sdelay $0x3  }
0x34: {  	[smem:$0x3FBA] =	sst s10  }
0x35: {  	s10 =	sld [smem:$0x3FB9];
	_ =	sdelay $0x3  }
0x36: {  	p1 =	seq.s32 s10, $0x1;
	s10 =	sld [smem:$0x3FBA];
	_ =	sdelay $0x3  }
0x37: {  	[smem:$0x3FBA] =	sst s10  }
0x38: {  	s10 =	sld [smem:$0x3FBB]  }
0x39: {  	_ = 	snop;
	(pc) =	sbr.ind lr, $3  }
0x3a: {  	_ = 	snop  }
0x3b: {  	_ = 	snop  }
0x3c: {  	p2 =	seq.s32 s10, $0x1;
	s10 =	sld [smem:$0x3FBA]  }
0x3d: {  	_ =	shalt  }
0x3e: {  	_ =	shalt  }
0x3f: {  	_ =	shalt  }
0x40: {  	_ =	shalt  }
0x41: {  	_ =	shalt  }
0x42: {  	_ =	shalt  }
0x43: {  	_ =	shalt  }
0x44: {  	_ =	shalt  }
0x45: {  	_ =	shalt  }
0x46: {  	_ =	shalt  }
0x47: {  	_ =	shalt  }
0x48: {  	_ =	shalt  }
0x49: {  	_ =	shalt  }
0x4a: {  	_ =	shalt  }
0x4b: {  	_ =	shalt  }
0x4c: {  	_ =	shalt  }
0x4d: {  	_ =	shalt  }
0x4e: {  	_ =	shalt  }
0x4f: {  	_ =	shalt  }
0x50: {  	_ =	shalt  }
0x51: {  	_ =	shalt  }
0x52: {  	_ =	shalt  }
0x53: {  	_ =	shalt  }
0x54: {  	_ =	shalt  }
0x55: {  	_ =	shalt  }
0x56: {  	_ =	shalt  }
0x57: {  	_ =	shalt  }
0x58: {  	_ =	shalt  }
0x59: {  	_ =	shalt  }
0x5a: {  	_ =	shalt  }
0x5b: {  	_ =	shalt  }
0x5c: {  	_ =	shalt  }
0x5d: {  	_ =	shalt  }
0x5e: {  	_ =	shalt  }
0x5f: {  	_ =	shalt  }
0x60: {  	_ =	shalt  }
0x61: {  	_ =	shalt  }
0x62: {  	_ =	shalt  }
0x63: {  	_ =	shalt  }
0x64: {  	_ =	shalt  }
0x65: {  	_ =	shalt  }
0x66: {  	_ =	shalt  }
0x67: {  	_ =	shalt  }
0x68: {  	_ =	shalt  }
0x69: {  	_ =	shalt  }
0x6a: {  	_ =	shalt  }
0x6b: {  	_ =	shalt  }
0x6c: {  	_ =	shalt  }
0x6d: {  	_ =	shalt  }
0x6e: {  	_ =	shalt  }
0x6f: {  	_ =	shalt  }
0x70: {  	_ =	shalt  }
0x71: {  	_ =	shalt  }
0x72: {  	_ =	shalt  }
0x73: {  	_ =	shalt  }
0x74: {  	_ =	shalt  }
0x75: {  	_ =	shalt  }
0x76: {  	_ =	shalt  }
0x77: {  	_ =	shalt  }
0x78: {  	_ =	shalt  }
0x79: {  	_ =	shalt  }
0x7a: {  	_ =	shalt  }
0x7b: {  	_ =	shalt  }
0x7c: {  	_ =	shalt  }
0x7d: {  	_ =	shalt  }
0x7e: {  	_ =	shalt  }
0x7f: {  	_ =	shalt  }
0x80: {  	_ =	shalt  }
0x81: {  	_ =	shalt  }
0x82: {  	_ =	shalt  }
0x83: {  	_ =	shalt  }
0x84: {  	_ =	shalt  }
0x85: {  	_ =	shalt  }
0x86: {  	_ =	shalt  }
0x87: {  	_ =	shalt  }
.Lfunc_end0:
.L_simem_size_0:
called_computation_lowered:
.L_overlay_start_0:
0x88: {  	s2 =	sld [smem:$0x3FD9]  }
0x89: {  	s3 =	sld [smem:$0x3FFE];
	_ =	sdelay $0x1  }
0x8a: {  	s1 =	srdreg.scid  }
0x8b: {  	s0 =	sand.u32 $0x1, s1  }
0x8c: {  	s18 =	sshll.u32 s0, $0xA;
	s2 =	sadd.s32 s3, s2  }
0x8d: {  	s2 =	sadd.s32 s2, s18  }
0x8e: {  	[smem:$0x3FC6] =	sst s2  }
0x8f: {  	_ = 	snop  }
0x90: {  	s2 =	sld [smem:$0x3FC9]  }
0x91: {  	s19 =	sld [smem:$0x3FC8]  }
0x92: {  	s4 =	sld [smem:$0x3FD0];
	(tm) =	ssettm $0x1  }
0x93: {  	s5 =	sld [smem:$0x3FFB];
	_ =	sdelay $0x3  }
0x94: {  	_ =	strace s5  }
0x95: {  	s5 =	sld [smem:$0x3FFC];
	_ =	sdelay $0x3  }
0x96: {  	_ =	strace s5  }
0x97: {  	s5 =	sld [smem:$0x3FFD];
	_ =	sdelay $0x3  }
0x98: {  	_ =	strace s5  }
0x99: {  	_ =	strace $0x8FFFFFFF  }
0x9a: {  	s20 =	sld [smem:$0x3FDB];
	_ =	sdelay $0x1  }
0x9b: {  	s6 =	simm.s32 $_scs_section_size  }
0x9c: {  	s7 =	simm.s32 $_size__tile_overlayer_lowered;
	s8 =	simm.s32 $_tile_overlayer_lowered  }
0x9d: {  	s23 =	simm.s32 $0x1BFF;
	s22 =	sshll.u32 s8, $0x1;
	s5 =	sadd.s32 s6, s20  }
0x9e: {  	s9 =	simm.s32 $0x0;
	s21 =	sshll.u32 s7, $0x1;
	s7 =	sadd.s32 s22, s5  }
0x9f: {  	[timem:s9], [sflag:s23] =	dma.local [hbm:s7], s21  }
0xa0: {  	_ =	swait.ge [sflag:s23], s21  }
0xa1: {  	s6 =	ssub.s32 $0x0, s21;
	[sflag:s23] =	ssyncset.done $0x0  }
0xa2: {  	[sflag:s23] =	ssyncadd.s32 s6;
	_ =	sdelay $0x1  }
0xa3: {  	s24 =	simm.s32 $0x1B8B  }
0xa4: {  	_ =	swait.ge [sflag:s24], $0x1  }
0xa5: {  	[sflag:s24] =	ssyncset.done $0x0  }
0xa6: {  	s25 =	simm.s32 $0x1B8E;
	[sflag:s24] =	ssyncadd.s32 $0xFFFFFFFF  }
0xa7: {  	s26 =	simm.s32 $execute0_lowered;
	[smem:$0x3FD2] =	sst s25  }
0xa8: {  	s6 =	sshll.u32 s26, $0x1;
	_ =	strace $0x80000046;
	[dreg:$0x1] =	wrdreg $0xFFFFFFFF  }
0xa9: {  	s28 =	simm.s32 $_size_execute0_lowered;
	s5 =	sadd.s32 s5, s6;
	[dreg:$0x0] =	wrdreg $0x0  }
0xaa: {  	s6 =	sshll.u32 s28, $0x1;
	[dreg:$0x2] =	wrdreg s5  }
0xab: {  	[dreg:$0x3] =	wrdreg s6  }
0xac: {  	[dreg:$0x4] =	wrdreg $0xC0  }
0xad: {  	_ =	task [dreg:s9], $0x5FFFF  }
0xae: {  	[dreg:$0x1] =	wrdreg $0xFFFFFFFF  }
0xaf: {  	[dreg:$0x0] =	wrdreg $0x60  }
0xb0: {  	[dreg:$0x2] =	wrdreg s2  }
0xb1: {  	[dreg:$0x3] =	wrdreg s19  }
0xb2: {  	[dreg:$0x4] =	wrdreg s4  }
0xb3: {  	[dreg:$0x5] =	wrdreg $0x0  }
0xb4: {  	[dreg:$0x6] =	wrdreg $0x9  }
0xb5: {  	_ =	task.clear_ibuf [dreg:s9], $0x7FFFF;
	_ =	strace $0x90000046  }
0xb6: {  	s29 =	simm.s32 $0x9;
	_ =	strace $0x80000048  }
0xb7: {  	_ =	swait.ge [sflag:s29], $0x1  }
0xb8: {  	[sflag:s29] =	ssyncadd.s32 $0xFFFFFFFF  }
0xb9: {  	_ =	strace $0x90000048  }
0xba: {  	_ =	sfence  }
0xbb: {  	s30 =	sld [smem:$0x0];
	_ =	sdelay $0x2  }
0xbc: {  	s31 =	sshll.u32 s1, $0xD;
	s1 =	sshrl.u32 s1, $0x2  }
0xbd: {  	s3 =	sand.u32 $0x4000, s31;
	s1 =	sadd.s32 s1, s30  }
0xbe: {  	s0 =	sor.u32 s3, s0;
	s1 =	sshll.u32 s1, $0x11  }
0xbf: {  	s0 =	sor.u32 s1, s0  }
0xc0: {  	s0 =	sadd.s32 $0x8F2B, s0  }
0xc1: {  	[sflag:s0] =	ssyncadd.remote.s32 $0x1  }
0xc2: {  	_ =	sfence.sel $0xFFFF  }
0xc3: {  	[dreg:$0x0] =	wrdreg $0xFFFFFFFF;
	(pc) =	sbr.abs _section_cstart, $3  }
0xc4: {  	[dreg:$0x1] =	wrdreg $0xFFFFFFFF  }
0xc5: {  	_ =	task.clear_ibuf [dreg:s9], $0x2FFFF;
	_ =	strace $0x9FFFFFFF  }
0xc6: {  	(tm) =	ssettm $0x7FFFFFFF  }
0xc7: {  	_ =	shalt  }
tec
execute0_lowered:
.L_overlay_start_1:
0x0: {  	(tag) =	ssettag $0x1  }
0x1: {  	s1 =	rddreg [dreg:$0x0]  }
0x2: {  	s12 =	rddreg [dreg:$0x1]  }
0x3: {  	s10 =	rddreg [dreg:$0x2]  }
0x4: {  	s2 =	rddreg [dreg:$0x3]  }
0x5: {  	s0 =	rddreg [dreg:$0x4];
	s3 =	simm.s32 $0x0  }
0x6: {  	s4 =	srdreg.scid;
	s15 =	simm.s32 $0x76;
	s16 =	simm.s32 $0x17700  }
0x7: {  	s17 =	simm.s32 $0x3;
	s20 =	sand.u32 $0x1, s4;
	s4 =	stileid.u32  }
0x8: {  	s18 =	simm.s32 $0x13C00;
	[smem:$0x7FF] =	sst s3;
	s8 =	smul.u32 $0x4F000, s4  }
0x9: {  	s19 =	simm.s32 $0x80;
	_ =	strace $0x80000047;
	s30 =	smul.u32 $0x9E, s4  }
0xa: {  	s5 =	ssub.s32 $0x2, s20;
	s6 =	ssub.s32 $0x0, s20;
	s9 =	smul.u32 $0x13C000, s20  }
0xb: {  	p0 =	seq.s32 s20, $0x0;
	s13 =	smul.u32 $0x13C00, s4;
	s7 =	sshrl.u32 s5, $0x1  }
0xc: {  	s6 =	sand.u32 $0x76, s6;
	s15 =	simm.s32 @!p0 $0x28;
	p0 =	sne.s32 s20, $0x0  }
0xd: {  	s20 =	simm.s32 $0x0;
	s11 =	ssub.s32 s5, s7;
	s31 =	sshrl.u32 s8, $0x2  }
0xe: {  	s14 =	sadd.s32 s30, s6;
	s13 =	sadd.s32 s13, s9;
	s5 =	sadd.s32 s31, s2  }
0xf: {  	s13 =	sshrl.u32 s13, $0x3;
	s14 =	sshll.u32 s14, $0x5;
	s11 =	smax.u32 s11, $0x1  }
0x10: {  	s6 =	sadd.s32 $0x4000, s5;
	s7 =	sadd.s32 $0x8000, s5;
	s8 =	sadd.s32 $0xC000, s5  }
0x11: {  	s9 =	sadd.s32 $0x10000, s5;
	s10 =	sadd.s32 s10, s13;
	s12 =	sadd.s32 s12, s14  }
0x12: {  	v0 =	vimm.f32 $0.0e+00;
	s13 =	smin.u32 s15, $0x3B;
	s15 =	sadd.s32 $0xFFFFFFC5, s15;
	s14 =	sadd.s32 $0x760, s12  }
.LBB2_1:
0x13: {  	s21 =	simm.s32 $0x0;
	s22 =	simm.s32 $0x200  }
.LBB2_2:
0x14: {  	p1 =	sne.s32 s22, $0xFE00;
	[tilespmem:s21+$0x17770] =	vst v0  }
0x15: {  	[tilespmem:s21+$0x17700] =	vst v0  }
0x16: {  	[tilespmem:s21+$0x17710] =	vst v0  }
.Ltmp0:
0x17: {  	[tilespmem:s21+$0x17720] =	vst v0;
	(pc) =	sbr.rel @p1 .LBB2_2-.Ltmp0, $4  }
0x18: {  	[tilespmem:s21+$0x17730] =	vst v0  }
0x19: {  	[tilespmem:s21+$0x17740] =	vst v0  }
0x1a: {  	[tilespmem:s21+$0x17750] =	vst v0  }
0x1b: {  	[tilespmem:s21+$0x17760] =	vst v0;
	s21 =	sshra.s32 s22, $0x2;
	s22 =	sadd.s32 $0x200, s22  }
0x1c: {  	[tilespmem:s21+$0x17770] =	vst v0  }
0x1d: {  	[tilespmem:s21+$0x17700] =	vst v0  }
0x1e: {  	[tilespmem:s21+$0x17710] =	vst v0  }
0x1f: {  	[tilespmem:s21+$0x17720] =	vst v0  }
0x20: {  	[tilespmem:s21+$0x17730] =	vst v0  }
0x21: {  	[tilespmem:s21+$0x17740] =	vst v0  }
0x22: {  	[tilespmem:s21+$0x17750] =	vst v0  }
0x23: {  	[tilespmem:s21+$0x17760] =	vst v0  }
0x24: {  	[spmem:s5] =	stream.linear.scatter [tilespmem:s16], [sflag:$0x3], $0x4000, $0x38;
	[tilespmem:$0x1F700] =	vst v63  }
0x25: {  	_ =	swait.ge [sflag:s17], $0x4000  }
0x26: {  	[sflag:s17] =	ssyncset.done $0x0  }
0x27: {  	[sflag:s17] =	ssyncadd.s32 $0xFFFFC000  }
0x28: {  	[spmem:s6] =	stream.linear.scatter [tilespmem:s16], [sflag:$0x3], $0x4000, $0x38;
	[tilespmem:$0x1F700] =	vst v63  }
0x29: {  	_ =	swait.ge [sflag:s17], $0x4000  }
0x2a: {  	[sflag:s17] =	ssyncset.done $0x0  }
0x2b: {  	[sflag:s17] =	ssyncadd.s32 $0xFFFFC000  }
0x2c: {  	[spmem:s7] =	stream.linear.scatter [tilespmem:s16], [sflag:$0x3], $0x4000, $0x38;
	[tilespmem:$0x1F700] =	vst v63  }
0x2d: {  	_ =	swait.ge [sflag:s17], $0x4000  }
0x2e: {  	[sflag:s17] =	ssyncset.done $0x0  }
0x2f: {  	[sflag:s17] =	ssyncadd.s32 $0xFFFFC000  }
0x30: {  	[spmem:s8] =	stream.linear.scatter [tilespmem:s16], [sflag:$0x3], $0x4000, $0x38;
	[tilespmem:$0x1F700] =	vst v63  }
0x31: {  	_ =	swait.ge [sflag:s17], $0x4000  }
0x32: {  	[sflag:s17] =	ssyncset.done $0x0  }
0x33: {  	[sflag:s17] =	ssyncadd.s32 $0xFFFFC000  }
0x34: {  	[spmem:s9] =	stream.linear.scatter [tilespmem:s16], [sflag:$0x3], $0x3C00, $0x38;
	[tilespmem:$0x1F700] =	vst v63  }
0x35: {  	_ =	swait.ge [sflag:s17], $0x3C00  }
0x36: {  	[sflag:s17] =	ssyncset.done $0x0  }
0x37: {  	[sflag:s17] =	ssyncadd.s32 $0xFFFFC400  }
0x38: {  	s31 =	simm.s32 $0x0;
	[bflag:$0x0] =	sbarrier.arrive $0xFFFF  }
0x39: {  	[tilespmem:s18], [sflag:$0x3] =	stream.linear.gather [hbm4b:s12+s31], $0x3B00, $0x38;
	[tilespmem:$0x1F700] =	vst v63  }
0x3a: {  	_ =	swait.ge [sflag:s17], $0x3B00  }
0x3b: {  	p2 =	sle.u32 s13, $0x0;
	[sflag:s17] =	ssyncset.done $0x0  }
0x3c: {  	s21 =	simm.s32 @!p2 $0x1;
	p1 =	sle.u32 @!p2 s13, $0x1;
	[sflag:s17] =	ssyncadd.s32 $0xFFFFC500  }
0x3d: {  	[tilespmem:s16], [sflag:$0x1] =	stream.indirect.gather [hbm4b:s1+s19], $0x80, s18, s19, $0xb8;
	[tilespmem:$0x1F700] =	vst v63  }
0x3e: {  	p1 =	por p1, p2;
	_ =	swait.ge @!p2 [sflag:s21], $0x4000  }
0x3f: {  	s22 =	simm.s32 @!p2 $0x13C80;
	s23 =	simm.s32 @!p1 $0x13D00;
	[sflag:s21] =	ssyncset.done @!p2 $0x0  }
0x40: {  	s24 =	simm.s32 @!p1 $0x1B700;
	[sflag:s21] =	ssyncadd.s32 @!p2 $0xFFFFC000;
	s21 =	simm.s32 @!p1 $0x80  }
0x41: {  	[tilespmem:s24], [sflag:$0x2] =	stream.indirect.gather @!p1 [hbm4b:s1+s21], $0x80, s23, s21, $0xb8;
	[tilespmem:$0x1F700] =	vst v63  }
0x42: {  	s21 =	simm.s32 @!p2 $0x80;
	s23 =	simm.s32 @!p2 $0x17700;
	s24 =	simm.s32 @!p2 $0x4  }
0x43: {  	[spmem:s2] =	stream.indirect.scatter.add.f32 @!p2 [tilespmem:s23], [sflag:$0x4], $0x80, s22, s21, $0xb8;
	[tilespmem:$0x1F700] =	vst v63  }
0x44: {  	_ =	swait.ge @!p2 [sflag:s24], $0x4000  }
0x45: {  	p1 =	sle.u32 s13, $0x1;
	[sflag:s24] =	ssyncset.done @!p2 $0x0  }
0x46: {  	s21 =	simm.s32 @!p1 $0x2;
	[sflag:s24] =	ssyncadd.s32 @!p2 $0xFFFFC000;
	p2 =	sle.u32 @!p1 s13, $0x2  }
0x47: {  	_ =	swait.ge @!p1 [sflag:s21], $0x4000;
	p2 =	por p2, p1  }
0x48: {  	s25 =	simm.s32 @!p1 $0x3;
	[sflag:s21] =	ssyncset.done @!p1 $0x0;
	s23 =	simm.s32 @!p2 $0x17700  }
0x49: {  	s24 =	simm.s32 @!p2 $0x80;
	[sflag:s21] =	ssyncadd.s32 @!p1 $0xFFFFC000;
	s21 =	simm.s32 @!p2 $0x13E00  }
0x4a: {  	[tilespmem:s23], [sflag:$0x1] =	stream.indirect.gather @!p2 [hbm4b:s1+s24], $0x80, s21, s24, $0xb8;
	[tilespmem:$0x1F700] =	vst v63  }
0x4b: {  	s22 =	simm.s32 @!p1 $0x13D80;
	s21 =	simm.s32 @!p1 $0x80;
	s23 =	simm.s32 @!p1 $0x1B700  }
0x4c: {  	[spmem:s2] =	stream.indirect.scatter.add.f32 @!p1 [tilespmem:s23], [sflag:$0x3], $0x80, s22, s21, $0xb8;
	[tilespmem:$0x1F700] =	vst v63  }
0x4d: {  	s22 =	simm.s32 $0x800;
	_ =	swait.ge @!p1 [sflag:s25], $0x4000  }
0x4e: {  	s23 =	simm.s32 $0x1000;
	s21 =	simm.s32 $0x2;
	[sflag:s25] =	ssyncset.done @!p1 $0x0  }
.LBB2_4:
0x4f: {  	p3 =	sge.u32 s21, s13  }
0x50: {  	[sflag:s25] =	ssyncadd.s32 @!p1 $0xFFFFC000;
	s24 =	smov.u32 s23;
	s23 =	sadd.s32 $0x800, s23  }
0x51: {  	s25 =	simm.s32 @!p3 $0x1;
	s26 =	sadd.s32 @!p3 $0x1, s21;
	s28 =	sshra.s32 @!p3 s22, $0x2  }
0x52: {  	_ =	swait.ge @!p3 [sflag:s25], $0x4000;
	p1 =	sge.u32 @!p3 s26, s13;
	s26 =	sadd.s32 @!p3 $0x13C80, s28  }
0x53: {  	p2 =	sne.s32 s23, $0xF000;
	[sflag:s25] =	ssyncset.done @!p3 $0x0;
	p1 =	por p1, p3  }
0x54: {  	[sflag:s25] =	ssyncadd.s32 @!p3 $0xFFFFC000;
	s25 =	sshra.s32 @!p1 s22, $0x2;
	s28 =	simm.s32 @!p1 $0x80  }
0x55: {  	s30 =	sadd.s32 $0x1, s21;
	s29 =	simm.s32 @!p1 $0x1B700;
	s25 =	sadd.s32 @!p1 $0x13D00, s25  }
0x56: {  	[tilespmem:s29], [sflag:$0x2] =	stream.indirect.gather @!p1 [hbm4b:s1+s28], $0x80, s25, s28, $0xb8;
	[tilespmem:$0x1F700] =	vst v63  }
0x57: {  	s25 =	simm.s32 @!p3 $0x80;
	s28 =	simm.s32 @!p3 $0x17700;
	s29 =	simm.s32 @!p3 $0x4  }
0x58: {  	[spmem:s2] =	stream.indirect.scatter.add.f32 @!p3 [tilespmem:s28], [sflag:$0x4], $0x80, s26, s25, $0xb8;
	[tilespmem:$0x1F700] =	vst v63  }
0x59: {  	p1 =	sge.u32 s30, s13;
	_ =	swait.ge @!p3 [sflag:s29], $0x4000  }
0x5a: {  	s25 =	sadd.s32 @!p1 $0x2, s21;
	s26 =	sshra.s32 @!p1 s22, $0x2;
	[sflag:s29] =	ssyncset.done @!p3 $0x0  }
0x5b: {  	s28 =	simm.s32 @!p1 $0x2;
	[sflag:s29] =	ssyncadd.s32 @!p3 $0xFFFFC000;
	p3 =	sge.u32 @!p1 s25, s13  }
0x5c: {  	s26 =	sadd.s32 @!p1 $0x13D80, s26;
	_ =	swait.ge @!p1 [sflag:s28], $0x4000;
	p3 =	por p3, p1  }
0x5d: {  	[sflag:s28] =	ssyncset.done @!p1 $0x0;
	s22 =	sshra.s32 @!p3 s22, $0x2;
	s25 =	simm.s32 @!p3 $0x17700  }
0x5e: {  	[sflag:s28] =	ssyncadd.s32 @!p1 $0xFFFFC000;
	s22 =	sadd.s32 @!p3 $0x13E00, s22;
	s28 =	simm.s32 @!p3 $0x80  }
0x5f: {  	[tilespmem:s25], [sflag:$0x1] =	stream.indirect.gather @!p3 [hbm4b:s1+s28], $0x80, s22, s28, $0xb8;
	[tilespmem:$0x1F700] =	vst v63  }
.Ltmp1:
0x60: {  	_ = 	snop;
	(pc) =	sbr.rel @p2 .LBB2_4-.Ltmp1, $4  }
0x61: {  	s22 =	simm.s32 @!p1 $0x80;
	s28 =	simm.s32 @!p1 $0x1B700;
	s25 =	simm.s32 @!p1 $0x3  }
0x62: {  	[spmem:s2] =	stream.indirect.scatter.add.f32 @!p1 [tilespmem:s28], [sflag:$0x3], $0x80, s26, s22, $0xb8;
	[tilespmem:$0x1F700] =	vst v63  }
0x63: {  	s22 =	smov.u32 s24;
	_ =	swait.ge @!p1 [sflag:s25], $0x4000  }
0x64: {  	s21 =	sadd.s32 $0x2, s21;
	[sflag:s25] =	ssyncset.done @!p1 $0x0  }
0x65: {  	p2 =	sge.u32 s21, s13  }
0x66: {  	[sflag:s25] =	ssyncadd.s32 @!p1 $0xFFFFC000;
	s23 =	simm.s32 @!p2 $0x1;
	s24 =	sadd.s32 @!p2 $0x1, s21  }
0x67: {  	s28 =	sadd.s32 $0x1, s21;
	_ =	swait.ge @!p2 [sflag:s23], $0x4000;
	p1 =	sge.u32 @!p2 s24, s13  }
0x68: {  	s25 =	sshra.s32 @!p2 s22, $0x2;
	[sflag:s23] =	ssyncset.done @!p2 $0x0;
	p1 =	por p1, p2  }
0x69: {  	s24 =	sadd.s32 @!p2 $0x13C80, s25;
	[sflag:s23] =	ssyncadd.s32 @!p2 $0xFFFFC000;
	s23 =	sshra.s32 @!p1 s22, $0x2  }
0x6a: {  	s25 =	simm.s32 @!p1 $0x80;
	s26 =	simm.s32 @!p1 $0x1B700;
	s23 =	sadd.s32 @!p1 $0x13D00, s23  }
0x6b: {  	[tilespmem:s26], [sflag:$0x2] =	stream.indirect.gather @!p1 [hbm4b:s1+s25], $0x80, s23, s25, $0xb8;
	[tilespmem:$0x1F700] =	vst v63  }
0x6c: {  	s23 =	simm.s32 @!p2 $0x80;
	s25 =	simm.s32 @!p2 $0x17700;
	s26 =	simm.s32 @!p2 $0x4  }
0x6d: {  	[spmem:s2] =	stream.indirect.scatter.add.f32 @!p2 [tilespmem:s25], [sflag:$0x4], $0x80, s24, s23, $0xb8;
	[tilespmem:$0x1F700] =	vst v63  }
0x6e: {  	p1 =	sge.u32 s28, s13;
	_ =	swait.ge @!p2 [sflag:s26], $0x4000  }
0x6f: {  	s21 =	sadd.s32 @!p1 $0x2, s21;
	s23 =	sshra.s32 @!p1 s22, $0x2;
	[sflag:s26] =	ssyncset.done @!p2 $0x0  }
0x70: {  	s24 =	simm.s32 @!p1 $0x2;
	[sflag:s26] =	ssyncadd.s32 @!p2 $0xFFFFC000;
	p2 =	sge.u32 @!p1 s21, s13  }
0x71: {  	s21 =	sadd.s32 @!p1 $0x13D80, s23;
	_ =	swait.ge @!p1 [sflag:s24], $0x4000;
	p2 =	por p2, p1  }
0x72: {  	[sflag:s24] =	ssyncset.done @!p1 $0x0;
	s22 =	sshra.s32 @!p2 s22, $0x2;
	s23 =	simm.s32 @!p2 $0x17700  }
0x73: {  	[sflag:s24] =	ssyncadd.s32 @!p1 $0xFFFFC000;
	s22 =	sadd.s32 @!p2 $0x13E00, s22;
	s24 =	simm.s32 @!p2 $0x80  }
0x74: {  	[tilespmem:s23], [sflag:$0x1] =	stream.indirect.gather @!p2 [hbm4b:s1+s24], $0x80, s22, s24, $0xb8;
	[tilespmem:$0x1F700] =	vst v63  }
0x75: {  	s22 =	simm.s32 @!p1 $0x80;
	s23 =	simm.s32 @!p1 $0x1B700;
	s24 =	simm.s32 @!p1 $0x3  }
0x76: {  	[spmem:s2] =	stream.indirect.scatter.add.f32 @!p1 [tilespmem:s23], [sflag:$0x3], $0x80, s21, s22, $0xb8;
	[tilespmem:$0x1F700] =	vst v63  }
0x77: {  	_ =	swait.ge @!p1 [sflag:s24], $0x4000  }
0x78: {  	[sflag:s24] =	ssyncset.done @!p1 $0x0  }
0x79: {  	[sflag:s24] =	ssyncadd.s32 @!p1 $0xFFFFC000  }
0x7a: {  	[tilespmem:s18], [sflag:$0x3] =	stream.linear.gather [hbm4b:s14+s3], $0x3B00, $0x38;
	[tilespmem:$0x1F700] =	vst v63  }
0x7b: {  	_ =	swait.ge [sflag:s17], $0x3B00  }
0x7c: {  	p2 =	sle.s32 s15, $0x0;
	s21 =	simm.s32 @!p0 $0x80;
	[sflag:s17] =	ssyncset.done $0x0  }
0x7d: {  	s22 =	simm.s32 @!p0 $0x13C00;
	s23 =	simm.s32 @!p0 $0x17700;
	[sflag:s17] =	ssyncadd.s32 $0xFFFFC500  }
0x7e: {  	[tilespmem:s23], [sflag:$0x1] =	stream.indirect.gather @!p0 [hbm4b:s1+s21], $0x80, s22, s21, $0xb8;
	[tilespmem:$0x1F700] =	vst v63  }
0x7f: {  	p1 =	sle.u32 @!p2 s15, $0x1;
	s21 =	simm.s32 @!p2 $0x1  }
0x80: {  	p1 =	por p1, p2;
	_ =	swait.ge @!p2 [sflag:s21], $0x4000  }
0x81: {  	s24 =	simm.s32 @!p1 $0x1B700;
	s22 =	simm.s32 @!p2 $0x13C80;
	[sflag:s21] =	ssyncset.done @!p2 $0x0  }
0x82: {  	s23 =	simm.s32 @!p1 $0x13D00;
	[sflag:s21] =	ssyncadd.s32 @!p2 $0xFFFFC000;
	s21 =	simm.s32 @!p1 $0x80  }
0x83: {  	[tilespmem:s24], [sflag:$0x2] =	stream.indirect.gather @!p1 [hbm4b:s1+s21], $0x80, s23, s21, $0xb8;
	[tilespmem:$0x1F700] =	vst v63  }
0x84: {  	s21 =	simm.s32 @!p2 $0x80;
	s23 =	simm.s32 @!p2 $0x17700;
	s24 =	simm.s32 @!p2 $0x4  }
0x85: {  	[spmem:s2] =	stream.indirect.scatter.add.f32 @!p2 [tilespmem:s23], [sflag:$0x4], $0x80, s22, s21, $0xb8;
	[tilespmem:$0x1F700] =	vst v63  }
0x86: {  	_ =	swait.ge @!p2 [sflag:s24], $0x4000  }
0x87: {  	p1 =	sle.s32 s15, $0x1;
	[sflag:s24] =	ssyncset.done @!p2 $0x0  }
0x88: {  	s21 =	simm.s32 @!p1 $0x2;
	[sflag:s24] =	ssyncadd.s32 @!p2 $0xFFFFC000;
	p2 =	sle.s32 @!p1 s15, $0x2  }
0x89: {  	_ =	swait.ge @!p1 [sflag:s21], $0x4000;
	p2 =	por p2, p1  }
0x8a: {  	s25 =	simm.s32 @!p1 $0x3;
	[sflag:s21] =	ssyncset.done @!p1 $0x0;
	s23 =	simm.s32 @!p2 $0x17700  }
0x8b: {  	s24 =	simm.s32 @!p2 $0x80;
	[sflag:s21] =	ssyncadd.s32 @!p1 $0xFFFFC000;
	s21 =	simm.s32 @!p2 $0x13E00  }
0x8c: {  	[tilespmem:s23], [sflag:$0x1] =	stream.indirect.gather @!p2 [hbm4b:s1+s24], $0x80, s21, s24, $0xb8;
	[tilespmem:$0x1F700] =	vst v63  }
0x8d: {  	s22 =	simm.s32 @!p1 $0x13D80;
	s21 =	simm.s32 @!p1 $0x80;
	s23 =	simm.s32 @!p1 $0x1B700  }
0x8e: {  	[spmem:s2] =	stream.indirect.scatter.add.f32 @!p1 [tilespmem:s23], [sflag:$0x3], $0x80, s22, s21, $0xb8;
	[tilespmem:$0x1F700] =	vst v63  }
0x8f: {  	s22 =	simm.s32 $0x800;
	_ =	swait.ge @!p1 [sflag:s25], $0x4000  }
0x90: {  	s23 =	simm.s32 $0x1000;
	s21 =	simm.s32 $0x2;
	[sflag:s25] =	ssyncset.done @!p1 $0x0  }
.LBB2_6:
0x91: {  	p3 =	sge.s32 s21, s15  }
0x92: {  	[sflag:s25] =	ssyncadd.s32 @!p1 $0xFFFFC000;
	s24 =	smov.u32 s23;
	s23 =	sadd.s32 $0x800, s23  }
0x93: {  	s25 =	simm.s32 @!p3 $0x1;
	s26 =	sadd.s32 @!p3 $0x1, s21;
	s28 =	sshra.s32 @!p3 s22, $0x2  }
0x94: {  	_ =	swait.ge @!p3 [sflag:s25], $0x4000;
	p1 =	sge.u32 @!p3 s26, s15;
	s26 =	sadd.s32 @!p3 $0x13C80, s28  }
0x95: {  	p2 =	sne.s32 s23, $0xF000;
	[sflag:s25] =	ssyncset.done @!p3 $0x0;
	p1 =	por p1, p3  }
0x96: {  	[sflag:s25] =	ssyncadd.s32 @!p3 $0xFFFFC000;
	s25 =	sshra.s32 @!p1 s22, $0x2;
	s28 =	simm.s32 @!p1 $0x80  }
0x97: {  	s30 =	sadd.s32 $0x1, s21;
	s29 =	simm.s32 @!p1 $0x1B700;
	s25 =	sadd.s32 @!p1 $0x13D00, s25  }
0x98: {  	[tilespmem:s29], [sflag:$0x2] =	stream.indirect.gather @!p1 [hbm4b:s1+s28], $0x80, s25, s28, $0xb8;
	[tilespmem:$0x1F700] =	vst v63  }
0x99: {  	s25 =	simm.s32 @!p3 $0x80;
	s28 =	simm.s32 @!p3 $0x17700;
	s29 =	simm.s32 @!p3 $0x4  }
0x9a: {  	[spmem:s2] =	stream.indirect.scatter.add.f32 @!p3 [tilespmem:s28], [sflag:$0x4], $0x80, s26, s25, $0xb8;
	[tilespmem:$0x1F700] =	vst v63  }
0x9b: {  	p1 =	sge.s32 s30, s15;
	_ =	swait.ge @!p3 [sflag:s29], $0x4000  }
0x9c: {  	s25 =	sadd.s32 @!p1 $0x2, s21;
	s26 =	sshra.s32 @!p1 s22, $0x2;
	[sflag:s29] =	ssyncset.done @!p3 $0x0  }
0x9d: {  	s28 =	simm.s32 @!p1 $0x2;
	[sflag:s29] =	ssyncadd.s32 @!p3 $0xFFFFC000;
	p3 =	sge.s32 @!p1 s25, s15  }
0x9e: {  	s26 =	sadd.s32 @!p1 $0x13D80, s26;
	_ =	swait.ge @!p1 [sflag:s28], $0x4000;
	p3 =	por p3, p1  }
0x9f: {  	[sflag:s28] =	ssyncset.done @!p1 $0x0;
	s22 =	sshra.s32 @!p3 s22, $0x2;
	s25 =	simm.s32 @!p3 $0x17700  }
0xa0: {  	[sflag:s28] =	ssyncadd.s32 @!p1 $0xFFFFC000;
	s22 =	sadd.s32 @!p3 $0x13E00, s22;
	s28 =	simm.s32 @!p3 $0x80  }
0xa1: {  	[tilespmem:s25], [sflag:$0x1] =	stream.indirect.gather @!p3 [hbm4b:s1+s28], $0x80, s22, s28, $0xb8;
	[tilespmem:$0x1F700] =	vst v63  }
.Ltmp2:
0xa2: {  	_ = 	snop;
	(pc) =	sbr.rel @p2 .LBB2_6-.Ltmp2, $4  }
0xa3: {  	s22 =	simm.s32 @!p1 $0x80;
	s28 =	simm.s32 @!p1 $0x1B700;
	s25 =	simm.s32 @!p1 $0x3  }
0xa4: {  	[spmem:s2] =	stream.indirect.scatter.add.f32 @!p1 [tilespmem:s28], [sflag:$0x3], $0x80, s26, s22, $0xb8;
	[tilespmem:$0x1F700] =	vst v63  }
0xa5: {  	s22 =	smov.u32 s24;
	_ =	swait.ge @!p1 [sflag:s25], $0x4000  }
0xa6: {  	s21 =	sadd.s32 $0x2, s21;
	[sflag:s25] =	ssyncset.done @!p1 $0x0  }
0xa7: {  	p2 =	sge.s32 s21, s15  }
0xa8: {  	[sflag:s25] =	ssyncadd.s32 @!p1 $0xFFFFC000;
	s23 =	simm.s32 @!p2 $0x1;
	s24 =	sadd.s32 @!p2 $0x1, s21  }
0xa9: {  	s28 =	sadd.s32 $0x1, s21;
	_ =	swait.ge @!p2 [sflag:s23], $0x4000;
	p1 =	sge.u32 @!p2 s24, s15  }
0xaa: {  	s25 =	sshra.s32 @!p2 s22, $0x2;
	[sflag:s23] =	ssyncset.done @!p2 $0x0;
	p1 =	por p1, p2  }
0xab: {  	s24 =	sadd.s32 @!p2 $0x13C80, s25;
	[sflag:s23] =	ssyncadd.s32 @!p2 $0xFFFFC000;
	s23 =	sshra.s32 @!p1 s22, $0x2  }
0xac: {  	s25 =	simm.s32 @!p1 $0x80;
	s26 =	simm.s32 @!p1 $0x1B700;
	s23 =	sadd.s32 @!p1 $0x13D00, s23  }
0xad: {  	[tilespmem:s26], [sflag:$0x2] =	stream.indirect.gather @!p1 [hbm4b:s1+s25], $0x80, s23, s25, $0xb8;
	[tilespmem:$0x1F700] =	vst v63  }
0xae: {  	s23 =	simm.s32 @!p2 $0x80;
	s25 =	simm.s32 @!p2 $0x17700;
	s26 =	simm.s32 @!p2 $0x4  }
0xaf: {  	[spmem:s2] =	stream.indirect.scatter.add.f32 @!p2 [tilespmem:s25], [sflag:$0x4], $0x80, s24, s23, $0xb8;
	[tilespmem:$0x1F700] =	vst v63  }
0xb0: {  	p1 =	sge.s32 s28, s15;
	_ =	swait.ge @!p2 [sflag:s26], $0x4000  }
0xb1: {  	s21 =	sadd.s32 @!p1 $0x2, s21;
	s23 =	sshra.s32 @!p1 s22, $0x2;
	[sflag:s26] =	ssyncset.done @!p2 $0x0  }
0xb2: {  	s24 =	simm.s32 @!p1 $0x2;
	[sflag:s26] =	ssyncadd.s32 @!p2 $0xFFFFC000;
	p2 =	sge.s32 @!p1 s21, s15  }
0xb3: {  	s21 =	sadd.s32 @!p1 $0x13D80, s23;
	_ =	swait.ge @!p1 [sflag:s24], $0x4000;
	p2 =	por p2, p1  }
0xb4: {  	[sflag:s24] =	ssyncset.done @!p1 $0x0;
	s22 =	sshra.s32 @!p2 s22, $0x2;
	s23 =	simm.s32 @!p2 $0x17700  }
0xb5: {  	[sflag:s24] =	ssyncadd.s32 @!p1 $0xFFFFC000;
	s22 =	sadd.s32 @!p2 $0x13E00, s22;
	s24 =	simm.s32 @!p2 $0x80  }
0xb6: {  	[tilespmem:s23], [sflag:$0x1] =	stream.indirect.gather @!p2 [hbm4b:s1+s24], $0x80, s22, s24, $0xb8;
	[tilespmem:$0x1F700] =	vst v63  }
0xb7: {  	s22 =	simm.s32 @!p1 $0x80;
	s23 =	simm.s32 @!p1 $0x1B700;
	s24 =	simm.s32 @!p1 $0x3  }
0xb8: {  	[spmem:s2] =	stream.indirect.scatter.add.f32 @!p1 [tilespmem:s23], [sflag:$0x3], $0x80, s21, s22, $0xb8;
	[tilespmem:$0x1F700] =	vst v63  }
0xb9: {  	_ =	swait.ge @!p1 [sflag:s24], $0x4000  }
0xba: {  	s30 =	sshll.u32 s4, $0x6;
	s20 =	sadd.s32 $0x1, s20;
	[sflag:s24] =	ssyncset.done @!p1 $0x0  }
0xbb: {  	s31 =	sshrl.u32 s5, $0x3;
	[sflag:s24] =	ssyncadd.s32 @!p1 $0xFFFFC000;
	p1 =	sne.s32 s20, s11  }
.Ltmp3:
0xbc: {  	s21 =	sor.u32 $0x1C03, s30;
	[bflag:$0x0] =	sbarrier.arrive $0xFFFF;
	(pc) =	sbr.rel @p1 .LBB2_1-.Ltmp3, $4  }
0xbd: {  	[hbm:s10], [sflag:s21] =	dma.local [spmem:s31], $0x2780  }
0xbe: {  	_ =	swait.ge [sflag:s17], $0x2780  }
0xbf: {  	[sflag:s17] =	ssyncset.done $0x0  }
0xc0: {  	[sflag:s17] =	ssyncadd.s32 $0xFFFFD880  }
0xc1: {  	_ =	sfence.sel $0x180000  }
0xc2: {  	[bflag:$0x0] =	sbarrier.arrive $0xFFFF  }
0xc3: {  	p0 =	sne.s32 s4, $0x0;
	_ =	strace $0x90000047  }
0xc4: {  	s0 =	sadd.s32 @!p0 $0x100000, s0;
	[bflag:$0x2] =	sbarrier.arrive $0xFFFF  }
0xc5: {  	[sflag:s0] =	ssyncadd.tile.s32 @!p0 $0x1;
	_ =	shalt  }
.Lfunc_end2:
_tile_overlayer_lowered:
.L_overlay_start_2:
0xc6: {  	(tag) =	ssettag $0x2  }
0xc7: {  	s0 =	rddreg [dreg:$0x0];
	s2 =	stileid.u32  }
0xc8: {  	s1 =	rddreg [dreg:$0x1];
	p0 =	sne.s32 s2, $0x0  }
0xc9: {  	s3 =	rddreg [dreg:$0x2];
	[bflag:$0x3] =	sbarrier.arrive $0xFFFF;
	s2 =	simm.s32 @!p0 $0x1C03  }
0xca: {  	[timem:s3], [sflag:s2] =	dma.local @!p0 [hbm:s0], s1  }
0xcb: {  	s0 =	simm.s32 @!p0 $0x3  }
0xcc: {  	_ =	swait.ge @!p0 [sflag:s0], s1  }
0xcd: {  	s1 =	ssub.s32 @!p0 $0x0, s1;
	[sflag:s0] =	ssyncset.done @!p0 $0x0  }
0xce: {  	[sflag:s0] =	ssyncadd.s32 @!p0 s1  }
0xcf: {  	[bflag:$0x3] =	sbarrier.arrive $0xFFFF  }
0xd0: {  	_ =	shalt  }

</sc_bundles>
